<compile_context>
chip_gen: v7x
topology: tpu7x:2x2x1
jax: 0.10.2.dev20260603
libtpu: 0.0.44.dev20260713+nightly
codegen_flags: <defaults>
</compile_context>

<pallas_src>
import functools

import jax
import jax.numpy as jnp
from jax import lax
from jax.experimental import pallas as pl
from jax.experimental.pallas import tpu as pltpu
from jax.experimental.pallas import tpu_sc as plsc

_K = 8
_BR = 512
_BR2 = 2048
_NC = 2
_NS = 16
_NW = _NC * _NS
_CH = 256


def _m11(a, j, b):
    c = b < a
    cf = c.astype(jnp.float32)
    return ([jnp.where(c, b, a), jnp.where(c, a, b)],
            [j + cf, (j + 1) - cf])


def _m22(A, Ai, B, Bi):
    c0 = B[0] < A[0]
    o0 = jnp.where(c0, B[0], A[0])
    o0i = jnp.where(c0, Bi[0], Ai[0])
    m = jnp.where(c0, A[0], B[0])
    mi = jnp.where(c0, Ai[0], Bi[0])
    c1 = B[1] < A[1]
    o3 = jnp.where(c1, A[1], B[1])
    o3i = jnp.where(c1, Ai[1], Bi[1])
    nv = jnp.where(c1, B[1], A[1])
    ni = jnp.where(c1, Bi[1], Ai[1])
    c2 = nv < m
    return ([o0, jnp.where(c2, nv, m), jnp.where(c2, m, nv), o3],
            [o0i, jnp.where(c2, ni, mi), jnp.where(c2, mi, ni), o3i])


def _cmpx(v, vi, i, j):
    c = v[j] < v[i]
    v[i], v[j] = jnp.where(c, v[j], v[i]), jnp.where(c, v[i], v[j])
    vi[i], vi[j] = jnp.where(c, vi[j], vi[i]), jnp.where(c, vi[i], vi[j])


def _m44_low(A, Ai, B, Bi):
    t, ti = [], []
    for i in range(4):
        c = B[3 - i] < A[i]
        t.append(jnp.where(c, B[3 - i], A[i]))
        ti.append(jnp.where(c, Bi[3 - i], Ai[i]))
    _cmpx(t, ti, 0, 2)
    _cmpx(t, ti, 1, 3)
    _cmpx(t, ti, 0, 1)
    _cmpx(t, ti, 2, 3)
    return t, ti


def _prep_body(post_ref, ptneg_ref, sq_ref):
    pt = post_ref[0]
    ptneg_ref[0] = pt * -2.0
    sq_ref[0] = jnp.sum(pt * pt, axis=0, keepdims=True)


def _knn_body(pos_ref, ptneg_ref, sq_ref, x_ref, w1_ref, b1_ref,
              idx_ref, a_ref, y_ref):
    xb = x_ref[...]
    w = w1_ref[...]
    f = xb.shape[1]
    a_ref[...] = (
        jnp.dot(xb, w[:f], preferred_element_type=jnp.float32) + b1_ref[...]
    )
    y_ref[...] = jnp.dot(xb, w[f:], preferred_element_type=jnp.float32)

    p = pos_ref[0]
    ptn = ptneg_ref[0]
    n = ptn.shape[1]
    ns = n // 128
    g = jnp.dot(p, ptn, preferred_element_type=jnp.float32)
    sqi = jnp.sum(p * p, axis=1, keepdims=True)
    sqj = sq_ref[0]
    br = p.shape[0]

    lists = []
    for j in range(0, ns, 2):
        sa, sb = slice(128 * j, 128 * (j + 1)), slice(128 * (j + 1), 128 * (j + 2))
        a = (sqi + g[:, sa]) + sqj[:, sa]
        b = (sqi + g[:, sb]) + sqj[:, sb]
        lists.append(_m11(a, jnp.float32(j), b))
    l4 = [_m22(*A, *B) for A, B in zip(lists[0::2], lists[1::2])]
    while len(l4) > 1:
        l4 = [_m44_low(*A, *B) for A, B in zip(l4[0::2], l4[1::2])]
    (s0, s1, s2, s3), (i0, i1, i2, i3) = l4[0]

    lane = lax.broadcasted_iota(jnp.int32, (br, 128), 1).astype(jnp.float32)
    big = jnp.float32(1 << 24)
    h, hs1, hs2, hs3 = s0, s1, s2, s3
    ji = [i * 128.0 + lane for i in (i0, i1, i2, i3)]
    hi, j1, j2, j3 = ji
    cols = []
    inf = jnp.float32(jnp.inf)
    for _ in range(_K):
        m = jnp.min(h, axis=1, keepdims=True)
        L = h == m
        cols.append(jnp.min(jnp.where(L, hi, big), axis=1))
        h = jnp.where(L, hs1, h)
        hi = jnp.where(L, j1, hi)
        hs1 = jnp.where(L, hs2, hs1)
        j1 = jnp.where(L, j2, j1)
        hs2 = jnp.where(L, hs3, hs2)
        j2 = jnp.where(L, j3, j2)
        hs3 = jnp.where(L, inf, hs3)
    idx = jnp.stack(cols, axis=1).astype(jnp.int32)
    idx_ref[...] = idx + pl.program_id(0) * n


def _mlp2_body(a_ref, yk_ref, w2_ref, b2_ref, o_ref):
    a = a_ref[...]
    br2, f = a.shape
    yk = yk_ref[...].reshape(br2, _K, f)
    h = jnp.maximum(a[:, None, :] + yk, 0.0)
    o = jnp.dot(
        h.reshape(br2 * _K, f), w2_ref[...], preferred_element_type=jnp.float32
    )
    o_ref[...] = jnp.max(o.reshape(br2, _K, f), axis=1) + b2_ref[...]


@functools.cache
def _make_gather(rows, d):
    per_w = rows // _NW
    n_ch = per_w // _CH
    mesh = plsc.VectorSubcoreMesh(core_axis_name="c", subcore_axis_name="s")

    @functools.partial(
        pl.kernel,
        out_type=jax.ShapeDtypeStruct((rows, d), jnp.float32),
        mesh=mesh,
        scratch_types=[
            pltpu.VMEM((per_w,), jnp.int32),
            pltpu.VMEM((_CH, d), jnp.float32),
            pltpu.VMEM((_CH, d), jnp.float32),
            pltpu.SemaphoreType.DMA,
            pltpu.SemaphoreType.DMA,
        ],
    )
    def gather(table_hbm, idx_hbm, out_hbm, idx_v, rb0, rb1, s0, s1):
        wid = lax.axis_index("s") * _NC + lax.axis_index("c")
        base = wid * per_w
        pltpu.sync_copy(idx_hbm.at[pl.ds(base, per_w)], idx_v)
        pltpu.async_copy(table_hbm.at[idx_v.at[pl.ds(0, _CH)]], rb0, s0)

        def body(t, carry):
            c0 = 2 * t * _CH
            c1 = c0 + _CH
            pltpu.async_copy(table_hbm.at[idx_v.at[pl.ds(c1, _CH)]], rb1, s1)
            pltpu.make_async_copy(
                table_hbm.at[idx_v.at[pl.ds(c0, _CH)]], rb0, s0).wait()
            pltpu.sync_copy(rb0, out_hbm.at[pl.ds(base + c0, _CH)])

            @pl.when(t + 1 < n_ch // 2)
            def _():
                pltpu.async_copy(
                    table_hbm.at[idx_v.at[pl.ds(c1 + _CH, _CH)]], rb0, s0)

            pltpu.make_async_copy(
                table_hbm.at[idx_v.at[pl.ds(c1, _CH)]], rb1, s1).wait()
            pltpu.sync_copy(rb1, out_hbm.at[pl.ds(base + c1, _CH)])
            return carry

        lax.fori_loop(0, n_ch // 2, body, 0)

    return gather


def kernel(x, pos, W1, b1, W2, b2):
    B, N, F = x.shape
    BN = B * N
    xf = x.reshape(BN, F)

    pos_pad = jnp.pad(pos, ((0, 0), (0, 0), (0, 5)))
    post = jnp.transpose(pos_pad, (0, 2, 1))
    ptneg, sq = pl.pallas_call(
        _prep_body,
        grid=(B,),
        in_specs=[pl.BlockSpec((1, 8, N), lambda b: (b, 0, 0))],
        out_specs=[
            pl.BlockSpec((1, 8, N), lambda b: (b, 0, 0)),
            pl.BlockSpec((1, 1, N), lambda b: (b, 0, 0)),
        ],
        out_shape=[
            jax.ShapeDtypeStruct((B, 8, N), jnp.float32),
            jax.ShapeDtypeStruct((B, 1, N), jnp.float32),
        ],
    )(post)
    nb = N // _BR
    idx, a, y = pl.pallas_call(
        _knn_body,
        grid=(B, nb),
        in_specs=[
            pl.BlockSpec((1, _BR, 8), lambda b, i: (b, i, 0)),
            pl.BlockSpec((1, 8, N), lambda b, i: (b, 0, 0)),
            pl.BlockSpec((1, 1, N), lambda b, i: (b, 0, 0)),
            pl.BlockSpec((_BR, F), lambda b, i: (b * nb + i, 0)),
            pl.BlockSpec((2 * F, F), lambda b, i: (0, 0)),
            pl.BlockSpec((1, F), lambda b, i: (0, 0)),
        ],
        out_specs=[
            pl.BlockSpec((_BR, _K), lambda b, i: (b * nb + i, 0)),
            pl.BlockSpec((_BR, F), lambda b, i: (b * nb + i, 0)),
            pl.BlockSpec((_BR, F), lambda b, i: (b * nb + i, 0)),
        ],
        out_shape=[
            jax.ShapeDtypeStruct((BN, _K), jnp.int32),
            jax.ShapeDtypeStruct((BN, F), jnp.float32),
            jax.ShapeDtypeStruct((BN, F), jnp.float32),
        ],
    )(pos_pad, ptneg, sq, xf, W1, b1.reshape(1, F))

    yk = _make_gather(BN * _K, F)(y, idx.reshape(BN * _K))

    out = pl.pallas_call(
        _mlp2_body,
        grid=(BN // _BR2,),
        in_specs=[
            pl.BlockSpec((_BR2, F), lambda i: (i, 0)),
            pl.BlockSpec((_BR2 * _K, F), lambda i: (i, 0)),
            pl.BlockSpec((F, F), lambda i: (0, 0)),
            pl.BlockSpec((1, F), lambda i: (0, 0)),
        ],
        out_specs=pl.BlockSpec((_BR2, F), lambda i: (i, 0)),
        out_shape=jax.ShapeDtypeStruct((BN, F), jnp.float32),
    )(a, yk, W2, b2.reshape(1, F))

    return out.reshape(B, N, F)

# --- scband reference (transcript-rebuilt; emitter-appended) ---
"""Pipeline reference for scband-geometric-position-update-10393820857006 (READ-ONLY COPY).

The authoritative reference and input builder live on the scoring server;
editing this copy changes nothing except your own understanding.
"""

import jax, jax.numpy as jnp
import numpy as np

K = 8
F = 128

def setup_inputs(seed: int = 0) -> dict:
    key = jax.random.key(seed)
    k1, k2, k3, k4 = jax.random.split(key, 4)
    x = jax.random.normal(k1, (4, 4096, F), dtype=jnp.float32)
    pos = jax.random.normal(k2, (4, 4096, 3), dtype=jnp.float32)
    W1 = jax.random.normal(k3, (2 * F, F), dtype=jnp.float32) * 0.02
    b1 = jnp.zeros((F,), dtype=jnp.float32)
    W2 = jax.random.normal(k4, (F, F), dtype=jnp.float32) * 0.02
    b2 = jnp.zeros((F,), dtype=jnp.float32)
    return {"x": x, "pos": pos, "W1": W1, "b1": b1, "W2": W2, "b2": b2}

def _knn_idx(pos, k):
    # pairwise squared euclidean distances [B, N, N]
    sq = jnp.sum(pos * pos, axis=-1)
    d = sq[:, :, None] - 2.0 * jnp.einsum('bnd,bmd->bnm', pos, pos) + sq[:, None, :]
    _, idx = jax.lax.top_k(-d, k)  # k nearest (smallest distance)
    return idx  # [B, N, k]

def reference(x, pos, W1, b1, W2, b2):
    idx = _knn_idx(pos, K)
    # batched gather: x[b, idx[b]] -> [B, N, K, F]
    x_knn = jax.vmap(lambda xb, ib: xb[ib])(x, idx)
    x_rep = jnp.repeat(x[:, :, None, :], K, axis=2)
    x_cat = jnp.concatenate([x_rep, x_knn], axis=-1)  # [B, N, K, 2F]
    h = jax.nn.relu(jnp.dot(x_cat, W1) + b1)
    out = jnp.dot(h, W2) + b2  # [B, N, K, F]
    x_updated = jnp.max(out, axis=2)  # [B, N, F]
    return x_updated

if __name__ == "__main__":
    import jax
    _d = setup_inputs()
    print(jax.jit(kernel)(*tuple(_d.values())))

</pallas_src>

<mosaic_0001>
#map = affine_map<(d0, d1) -> (0, 0)>
#map1 = affine_map<(d0, d1) -> (0)>
module attributes {stable_mosaic.version = 14 : i64} {
  func.func @gather(%arg0: i32, %arg1: i32, %arg2: memref<16384x128xf32, #tpu.memory_space<hbm>>, %arg3: memref<131072xi32, #tpu.memory_space<hbm>>, %arg4: memref<131072x128xf32, #tpu.memory_space<hbm>>, %arg5: memref<4096xi32, #tpu.memory_space<vmem>>, %arg6: memref<256x128xf32, #tpu.memory_space<vmem>>, %arg7: memref<256x128xf32, #tpu.memory_space<vmem>>, %arg8: memref<!tpu.dma_semaphore, #tpu.memory_space<semaphore_mem>>, %arg9: memref<!tpu.dma_semaphore, #tpu.memory_space<semaphore_mem>>) attributes {dimension_semantics = [#tpu.dimension_semantics<core_parallel>, #tpu.dimension_semantics<subcore_parallel>], iteration_bounds = array<i64: 2, 16>, scalar_prefetch = 0 : i64, scratch_operands = 5 : i64, tpu.core_type = #tpu.core_type<sc_vector_subcore>, window_params = [{transform_indices = #map}, {transform_indices = #map1}, {transform_indices = #map}]} {
    %mul3A = arith.constant 2 : i32
    %mul3A_0 = arith.muli %arg1, %mul3A : i32
    %add3A = arith.addi %mul3A_0, %arg0 : i32
    %mul3A_1 = arith.constant 4096 : i32
    %mul3A_2 = arith.muli %add3A, %mul3A_1 : i32
    "tpu.region"() ({
      %run_scoped3A = tpu.sem_alloc : memref<!tpu.dma_semaphore, #tpu.memory_space<semaphore_mem>>
      %dma_start3A_12 = tpu.memref_slice %arg3[%mul3A_2] : memref<131072xi32, #tpu.memory_space<hbm>> -> memref<4096xi32, #tpu.memory_space<hbm>>
      %dma_start3A_13 = tpu.memref_slice %arg3[%mul3A_2] : memref<131072xi32, #tpu.memory_space<hbm>> -> memref<4096xi32, #tpu.memory_space<hbm>>
      tpu.enqueue_dma source(%dma_start3A_13 : memref<4096xi32, #tpu.memory_space<hbm>>) target(%arg5 : memref<4096xi32, #tpu.memory_space<vmem>>) target_semaphore(%run_scoped3A : memref<!tpu.dma_semaphore, #tpu.memory_space<semaphore_mem>>)
      %dma_wait3A = tpu.memref_slice %arg3[%mul3A_2] : memref<131072xi32, #tpu.memory_space<hbm>> -> memref<4096xi32, #tpu.memory_space<hbm>>
      %dma_wait3A_14 = tpu.memref_slice %arg3[%mul3A_2] : memref<131072xi32, #tpu.memory_space<hbm>> -> memref<4096xi32, #tpu.memory_space<hbm>>
      tpu.wait_dma2 semaphore(%run_scoped3A : memref<!tpu.dma_semaphore, #tpu.memory_space<semaphore_mem>>) src(%dma_wait3A_14 : memref<4096xi32, #tpu.memory_space<hbm>>) dst(%arg5 : memref<4096xi32, #tpu.memory_space<vmem>>)
      tpu.yield
    }) : () -> ()
    %dma_start3A = arith.constant 0 : i32
    %dma_start3A_3 = tpu.memref_slice %arg5[%dma_start3A] : memref<4096xi32, #tpu.memory_space<vmem>> -> memref<256xi32, #tpu.memory_space<vmem>>
    %dma_start3A_4 = arith.constant 0 : i32
    %dma_start3A_5 = arith.constant 0 : i32
    %dma_start3A_6 = tpu.memref_slice %arg2[%dma_start3A_4, %dma_start3A_5] : memref<16384x128xf32, #tpu.memory_space<hbm>> -> memref<16384x128xf32, #tpu.memory_space<hbm>>
    tpu.enqueue_indirect_dma source(%dma_start3A_6 : memref<16384x128xf32, #tpu.memory_space<hbm>>) target(%arg6 : memref<256x128xf32, #tpu.memory_space<vmem>>) offsets(%dma_start3A_3 : memref<256xi32, #tpu.memory_space<vmem>>) semaphore(%arg8 : memref<!tpu.dma_semaphore, #tpu.memory_space<semaphore_mem>>)
    %scan3A = arith.constant 0 : i32
    %scan3A_7 = arith.constant 0 : i32
    %scan3A_8 = arith.constant 8 : i32
    %scan3A_9 = arith.addi %scan3A_7, %scan3A_8 : i32
    %scan3A_10 = arith.constant 1 : i32
    scf.for %scan3A_12 = %scan3A_7 to %scan3A_9 step %scan3A_10  : i32 {
      %mul3A_13 = arith.constant 2 : i32
      %mul3A_14 = arith.muli %mul3A_13, %scan3A_12 : i32
      %mul3A_15 = arith.constant 256 : i32
      %mul3A_16 = arith.muli %mul3A_14, %mul3A_15 : i32
      %add3A_17 = arith.constant 256 : i32
      %add3A_18 = arith.addi %mul3A_16, %add3A_17 : i32
      %dma_start3A_19 = tpu.memref_slice %arg5[%add3A_18] : memref<4096xi32, #tpu.memory_space<vmem>> -> memref<256xi32, #tpu.memory_space<vmem>>
      %dma_start3A_20 = arith.constant 0 : i32
      %dma_start3A_21 = arith.constant 0 : i32
      %dma_start3A_22 = tpu.memref_slice %arg2[%dma_start3A_20, %dma_start3A_21] : memref<16384x128xf32, #tpu.memory_space<hbm>> -> memref<16384x128xf32, #tpu.memory_space<hbm>>
      tpu.enqueue_indirect_dma source(%dma_start3A_22 : memref<16384x128xf32, #tpu.memory_space<hbm>>) target(%arg7 : memref<256x128xf32, #tpu.memory_space<vmem>>) offsets(%dma_start3A_19 : memref<256xi32, #tpu.memory_space<vmem>>) semaphore(%arg9 : memref<!tpu.dma_semaphore, #tpu.memory_space<semaphore_mem>>)
      %dma_wait3A = tpu.memref_slice %arg5[%mul3A_16] : memref<4096xi32, #tpu.memory_space<vmem>> -> memref<256xi32, #tpu.memory_space<vmem>>
      %dma_wait3A_23 = arith.constant 0 : i32
      %dma_wait3A_24 = arith.constant 0 : i32
      %dma_wait3A_25 = tpu.memref_slice %arg2[%dma_wait3A_23, %dma_wait3A_24] : memref<16384x128xf32, #tpu.memory_space<hbm>> -> memref<16384x128xf32, #tpu.memory_space<hbm>>
      tpu.wait_indirect_dma semaphore(%arg8 : memref<!tpu.dma_semaphore, #tpu.memory_space<semaphore_mem>>) src(%dma_wait3A_25 : memref<16384x128xf32, #tpu.memory_space<hbm>>) dst(%arg6 : memref<256x128xf32, #tpu.memory_space<vmem>>)
      %add3A_26 = arith.addi %mul3A_2, %mul3A_16 : i32
      "tpu.region"() ({
        %run_scoped3A = tpu.sem_alloc : memref<!tpu.dma_semaphore, #tpu.memory_space<semaphore_mem>>
        %dma_start3A_36 = arith.constant 0 : i32
        %dma_start3A_37 = tpu.memref_slice %arg4[%add3A_26, %dma_start3A_36] : memref<131072x128xf32, #tpu.memory_space<hbm>> -> memref<256x128xf32, #tpu.memory_space<hbm>>
        %dma_start3A_38 = arith.constant 0 : i32
        %dma_start3A_39 = tpu.memref_slice %arg4[%add3A_26, %dma_start3A_38] : memref<131072x128xf32, #tpu.memory_space<hbm>> -> memref<256x128xf32, #tpu.memory_space<hbm>>
        tpu.enqueue_dma source(%arg6 : memref<256x128xf32, #tpu.memory_space<vmem>>) target(%dma_start3A_39 : memref<256x128xf32, #tpu.memory_space<hbm>>) target_semaphore(%run_scoped3A : memref<!tpu.dma_semaphore, #tpu.memory_space<semaphore_mem>>)
        %dma_wait3A_40 = arith.constant 0 : i32
        %dma_wait3A_41 = tpu.memref_slice %arg4[%add3A_26, %dma_wait3A_40] : memref<131072x128xf32, #tpu.memory_space<hbm>> -> memref<256x128xf32, #tpu.memory_space<hbm>>
        %dma_wait3A_42 = arith.constant 0 : i32
        %dma_wait3A_43 = tpu.memref_slice %arg4[%add3A_26, %dma_wait3A_42] : memref<131072x128xf32, #tpu.memory_space<hbm>> -> memref<256x128xf32, #tpu.memory_space<hbm>>
        tpu.wait_dma2 semaphore(%run_scoped3A : memref<!tpu.dma_semaphore, #tpu.memory_space<semaphore_mem>>) src(%arg6 : memref<256x128xf32, #tpu.memory_space<vmem>>) dst(%dma_wait3A_43 : memref<256x128xf32, #tpu.memory_space<hbm>>)
        tpu.yield
      }) : () -> ()
      %add3A_27 = arith.constant 1 : i32
      %add3A_28 = arith.addi %scan3A_12, %add3A_27 : i32
      %lt3A = arith.constant 8 : i32
      %lt3A_29 = arith.cmpi slt, %add3A_28, %lt3A : i32
      %convert_element_type3A = arith.extui %lt3A_29 : i1 to i32
      %cond3A = arith.constant 0 : i32
      %cond3A_30 = arith.cmpi ne, %convert_element_type3A, %cond3A : i32
      scf.if %cond3A_30 {
        %add3A_36 = arith.constant 256 : i32
        %add3A_37 = arith.addi %add3A_18, %add3A_36 : i32
        %dma_start3A_38 = tpu.memref_slice %arg5[%add3A_37] : memref<4096xi32, #tpu.memory_space<vmem>> -> memref<256xi32, #tpu.memory_space<vmem>>
        %dma_start3A_39 = arith.constant 0 : i32
        %dma_start3A_40 = arith.constant 0 : i32
        %dma_start3A_41 = tpu.memref_slice %arg2[%dma_start3A_39, %dma_start3A_40] : memref<16384x128xf32, #tpu.memory_space<hbm>> -> memref<16384x128xf32, #tpu.memory_space<hbm>>
        tpu.enqueue_indirect_dma source(%dma_start3A_41 : memref<16384x128xf32, #tpu.memory_space<hbm>>) target(%arg6 : memref<256x128xf32, #tpu.memory_space<vmem>>) offsets(%dma_start3A_38 : memref<256xi32, #tpu.memory_space<vmem>>) semaphore(%arg8 : memref<!tpu.dma_semaphore, #tpu.memory_space<semaphore_mem>>)
      } else {
      }
      %dma_wait3A_31 = tpu.memref_slice %arg5[%add3A_18] : memref<4096xi32, #tpu.memory_space<vmem>> -> memref<256xi32, #tpu.memory_space<vmem>>
      %dma_wait3A_32 = arith.constant 0 : i32
      %dma_wait3A_33 = arith.constant 0 : i32
      %dma_wait3A_34 = tpu.memref_slice %arg2[%dma_wait3A_32, %dma_wait3A_33] : memref<16384x128xf32, #tpu.memory_space<hbm>> -> memref<16384x128xf32, #tpu.memory_space<hbm>>
      tpu.wait_indirect_dma semaphore(%arg9 : memref<!tpu.dma_semaphore, #tpu.memory_space<semaphore_mem>>) src(%dma_wait3A_34 : memref<16384x128xf32, #tpu.memory_space<hbm>>) dst(%arg7 : memref<256x128xf32, #tpu.memory_space<vmem>>)
      %add3A_35 = arith.addi %mul3A_2, %add3A_18 : i32
      "tpu.region"() ({
        %run_scoped3A = tpu.sem_alloc : memref<!tpu.dma_semaphore, #tpu.memory_space<semaphore_mem>>
        %dma_start3A_36 = arith.constant 0 : i32
        %dma_start3A_37 = tpu.memref_slice %arg4[%add3A_35, %dma_start3A_36] : memref<131072x128xf32, #tpu.memory_space<hbm>> -> memref<256x128xf32, #tpu.memory_space<hbm>>
        %dma_start3A_38 = arith.constant 0 : i32
        %dma_start3A_39 = tpu.memref_slice %arg4[%add3A_35, %dma_start3A_38] : memref<131072x128xf32, #tpu.memory_space<hbm>> -> memref<256x128xf32, #tpu.memory_space<hbm>>
        tpu.enqueue_dma source(%arg7 : memref<256x128xf32, #tpu.memory_space<vmem>>) target(%dma_start3A_39 : memref<256x128xf32, #tpu.memory_space<hbm>>) target_semaphore(%run_scoped3A : memref<!tpu.dma_semaphore, #tpu.memory_space<semaphore_mem>>)
        %dma_wait3A_40 = arith.constant 0 : i32
        %dma_wait3A_41 = tpu.memref_slice %arg4[%add3A_35, %dma_wait3A_40] : memref<131072x128xf32, #tpu.memory_space<hbm>> -> memref<256x128xf32, #tpu.memory_space<hbm>>
        %dma_wait3A_42 = arith.constant 0 : i32
        %dma_wait3A_43 = tpu.memref_slice %arg4[%add3A_35, %dma_wait3A_42] : memref<131072x128xf32, #tpu.memory_space<hbm>> -> memref<256x128xf32, #tpu.memory_space<hbm>>
        tpu.wait_dma2 semaphore(%run_scoped3A : memref<!tpu.dma_semaphore, #tpu.memory_space<semaphore_mem>>) src(%arg7 : memref<256x128xf32, #tpu.memory_space<vmem>>) dst(%dma_wait3A_43 : memref<256x128xf32, #tpu.memory_space<hbm>>)
        tpu.yield
      }) : () -> ()
    }
    %scan3A_11 = arith.constant 8 : i32
    return
  }
}

module attributes {stable_mosaic.version = 14 : i64} {
  func.func @_prep_body(%arg0: i32, %arg1: memref<1x8x4096xf32, #tpu.memory_space<vmem>>, %arg2: memref<1x8x4096xf32, #tpu.memory_space<vmem>>, %arg3: memref<1x1x4096xf32, #tpu.memory_space<vmem>>) attributes {dimension_semantics = [#tpu.dimension_semantics<arbitrary>], iteration_bounds = array<i64: 4>, scalar_prefetch = 0 : i64, scratch_operands = 0 : i64, tpu.core_type = #tpu.core_type<tc>, window_params = [{transform_indices = @transform_0, window_bounds = array<i64: 1, 8, 4096>}, {transform_indices = @transform_1, window_bounds = array<i64: 1, 8, 4096>}, {transform_indices = @transform_2, window_bounds = array<i64: 1, 1, 4096>}]} {
    %get3A = arith.constant 0 : index
    %get3A_0 = arith.constant 0 : index
    %get3A_1 = arith.constant 0 : index
    %get3A_2 = vector.load %arg1[%get3A, %get3A_0, %get3A_1] : memref<1x8x4096xf32, #tpu.memory_space<vmem>>, vector<1x8x4096xf32>
    %get3A_3 = vector.shape_cast %get3A_2 : vector<1x8x4096xf32> to vector<8x4096xf32>
    %mul3A = arith.constant -2.000000e+00 : f32
    %mul3A_4 = vector.broadcast %mul3A : f32 to vector<8x4096xf32>
    %mul3A_5 = arith.mulf %get3A_3, %mul3A_4 : vector<8x4096xf32>
    %swap3A = arith.constant 0 : index
    %swap3A_6 = arith.constant 0 : index
    %swap3A_7 = arith.constant 0 : index
    %swap3A_8 = vector.load %arg2[%swap3A, %swap3A_6, %swap3A_7] : memref<1x8x4096xf32, #tpu.memory_space<vmem>>, vector<1x8x4096xf32>
    %swap3A_9 = vector.shape_cast %swap3A_8 : vector<1x8x4096xf32> to vector<8x4096xf32>
    %swap3A_10 = vector.shape_cast %mul3A_5 : vector<8x4096xf32> to vector<1x8x4096xf32>
    tpu.vector_store %arg2[%swap3A, %swap3A_6, %swap3A_7], %swap3A_10 {strides = array<i32>} : memref<1x8x4096xf32, #tpu.memory_space<vmem>>, vector<1x8x4096xf32>,
    %mul3A_11 = arith.mulf %get3A_3, %get3A_3 : vector<8x4096xf32>
    %reduce_sum3A = arith.constant dense<0.000000e+00> : vector<4096xf32>
    %reduce_sum3A_12 = vector.multi_reduction <add>, %mul3A_11, %reduce_sum3A [0] : vector<8x4096xf32> to vector<4096xf32>
    %broadcast_in_dim3A = vector.shape_cast %reduce_sum3A_12 : vector<4096xf32> to vector<1x4096xf32>
    %swap3A_13 = arith.constant 0 : index
    %swap3A_14 = arith.constant 0 : index
    %swap3A_15 = arith.constant 0 : index
    %swap3A_16 = vector.load %arg3[%swap3A_13, %swap3A_14, %swap3A_15] : memref<1x1x4096xf32, #tpu.memory_space<vmem>>, vector<1x1x4096xf32>
    %swap3A_17 = vector.shape_cast %swap3A_16 : vector<1x1x4096xf32> to vector<1x4096xf32>
    %swap3A_18 = vector.shape_cast %broadcast_in_dim3A : vector<1x4096xf32> to vector<1x1x4096xf32>
    tpu.vector_store %arg3[%swap3A_13, %swap3A_14, %swap3A_15], %swap3A_18 {strides = array<i32>} : memref<1x1x4096xf32, #tpu.memory_space<vmem>>, vector<1x1x4096xf32>,
    return
  }
  func.func @transform_0(%arg0: i32) -> (i32, i32, i32) {
    %c0_i32 = arith.constant 0 : i32
    %c0_i32_0 = arith.constant 0 : i32
    %c0_i32_1 = arith.constant 0 : i32
    return %arg0, %c0_i32, %c0_i32_0 : i32, i32, i32
  }
  func.func @transform_1(%arg0: i32) -> (i32, i32, i32) {
    %c0_i32 = arith.constant 0 : i32
    %c0_i32_0 = arith.constant 0 : i32
    %c0_i32_1 = arith.constant 0 : i32
    return %arg0, %c0_i32, %c0_i32_0 : i32, i32, i32
  }
  func.func @transform_2(%arg0: i32) -> (i32, i32, i32) {
    %c0_i32 = arith.constant 0 : i32
    %c0_i32_0 = arith.constant 0 : i32
    %c0_i32_1 = arith.constant 0 : i32
    return %arg0, %c0_i32, %c0_i32_0 : i32, i32, i32
  }
}

module attributes {stable_mosaic.version = 14 : i64} {
  func.func @_knn_body(%arg0: i32, %arg1: i32, %arg2: memref<1x512x8xf32, #tpu.memory_space<vmem>>, %arg3: memref<1x8x4096xf32, #tpu.memory_space<vmem>>, %arg4: memref<1x1x4096xf32, #tpu.memory_space<vmem>>, %arg5: memref<512x128xf32, #tpu.memory_space<vmem>>, %arg6: memref<256x128xf32, #tpu.memory_space<vmem>>, %arg7: memref<1x128xf32, #tpu.memory_space<vmem>>, %arg8: memref<512x8xi32, #tpu.memory_space<vmem>>, %arg9: memref<512x128xf32, #tpu.memory_space<vmem>>, %arg10: memref<512x128xf32, #tpu.memory_space<vmem>>) attributes {dimension_semantics = [#tpu.dimension_semantics<arbitrary>, #tpu.dimension_semantics<arbitrary>], iteration_bounds = array<i64: 4, 8>, scalar_prefetch = 0 : i64, scratch_operands = 0 : i64, tpu.core_type = #tpu.core_type<tc>, window_params = [{transform_indices = @transform_0, window_bounds = array<i64: 1, 512, 8>}, {transform_indices = @transform_1, window_bounds = array<i64: 1, 8, 4096>}, {transform_indices = @transform_2, window_bounds = array<i64: 1, 1, 4096>}, {transform_indices = @transform_3, window_bounds = array<i64: 512, 128>}, {pipeline_mode = #tpu.pipeline_mode<synchronous>, transform_indices = @transform_4, window_bounds = array<i64: 256, 128>}, {pipeline_mode = #tpu.pipeline_mode<synchronous>, transform_indices = @transform_5, window_bounds = array<i64: 1, 128>}, {transform_indices = @transform_6, window_bounds = array<i64: 512, 8>}, {transform_indices = @transform_7, window_bounds = array<i64: 512, 128>}, {transform_indices = @transform_8, window_bounds = array<i64: 512, 128>}]} {
    %get3A = arith.constant 0 : index
    %get3A_0 = arith.constant 0 : index
    %get3A_1 = vector.load %arg5[%get3A, %get3A_0] : memref<512x128xf32, #tpu.memory_space<vmem>>, vector<512x128xf32>
    %get3A_2 = arith.constant 0 : index
    %get3A_3 = arith.constant 0 : index
    %get3A_4 = vector.load %arg6[%get3A_2, %get3A_3] : memref<256x128xf32, #tpu.memory_space<vmem>>, vector<256x128xf32>
    %slice3A = vector.extract_strided_slice %get3A_4 {offsets = [0, 0], sizes = [128, 128], strides = [1, 1]} : vector<256x128xf32> to vector<128x128xf32>
    %dot_general3A = arith.constant dense<0.000000e+00> : vector<512x128xf32>
    %dot_general3A_5 = tpu.matmul %get3A_1, %slice3A, %dot_general3A {dimension_numbers = #tpu.dot_dimension_numbers<[1], [0], [0], [1], [0, 0, 1, 1], [], []>, transpose_lhs_hint = false} : vector<512x128xf32>, vector<128x128xf32>, vector<512x128xf32> -> vector<512x128xf32>
    %get3A_6 = arith.constant 0 : index
    %get3A_7 = arith.constant 0 : index
    %get3A_8 = vector.load %arg7[%get3A_6, %get3A_7] : memref<1x128xf32, #tpu.memory_space<vmem>>, vector<1x128xf32>
    %add3A = vector.broadcast %get3A_8 : vector<1x128xf32> to vector<512x128xf32>
    %add3A_9 = arith.addf %dot_general3A_5, %add3A : vector<512x128xf32>
    %swap3A = arith.constant 0 : index
    %swap3A_10 = arith.constant 0 : index
    %swap3A_11 = vector.load %arg9[%swap3A, %swap3A_10] : memref<512x128xf32, #tpu.memory_space<vmem>>, vector<512x128xf32>
    tpu.vector_store %arg9[%swap3A, %swap3A_10], %add3A_9 {strides = array<i32>} : memref<512x128xf32, #tpu.memory_space<vmem>>, vector<512x128xf32>,
    %slice3A_12 = vector.extract_strided_slice %get3A_4 {offsets = [128, 0], sizes = [128, 128], strides = [1, 1]} : vector<256x128xf32> to vector<128x128xf32>
    %dot_general3A_13 = arith.constant dense<0.000000e+00> : vector<512x128xf32>
    %dot_general3A_14 = tpu.matmul %get3A_1, %slice3A_12, %dot_general3A_13 {dimension_numbers = #tpu.dot_dimension_numbers<[1], [0], [0], [1], [0, 0, 1, 1], [], []>, transpose_lhs_hint = false} : vector<512x128xf32>, vector<128x128xf32>, vector<512x128xf32> -> vector<512x128xf32>
    %swap3A_15 = arith.constant 0 : index
    %swap3A_16 = arith.constant 0 : index
    %swap3A_17 = vector.load %arg10[%swap3A_15, %swap3A_16] : memref<512x128xf32, #tpu.memory_space<vmem>>, vector<512x128xf32>
    tpu.vector_store %arg10[%swap3A_15, %swap3A_16], %dot_general3A_14 {strides = array<i32>} : memref<512x128xf32, #tpu.memory_space<vmem>>, vector<512x128xf32>,
    %get3A_18 = arith.constant 0 : index
    %get3A_19 = arith.constant 0 : index
    %get3A_20 = arith.constant 0 : index
    %get3A_21 = vector.load %arg2[%get3A_18, %get3A_19, %get3A_20] : memref<1x512x8xf32, #tpu.memory_space<vmem>>, vector<1x512x8xf32>
    %get3A_22 = vector.shape_cast %get3A_21 : vector<1x512x8xf32> to vector<512x8xf32>
    %get3A_23 = arith.constant 0 : index
    %get3A_24 = arith.constant 0 : index
    %get3A_25 = arith.constant 0 : index
    %get3A_26 = vector.load %arg3[%get3A_23, %get3A_24, %get3A_25] : memref<1x8x4096xf32, #tpu.memory_space<vmem>>, vector<1x8x4096xf32>
    %get3A_27 = vector.shape_cast %get3A_26 : vector<1x8x4096xf32> to vector<8x4096xf32>
    %dot_general3A_28 = arith.constant dense<0.000000e+00> : vector<512x4096xf32>
    %dot_general3A_29 = tpu.matmul %get3A_22, %get3A_27, %dot_general3A_28 {dimension_numbers = #tpu.dot_dimension_numbers<[1], [0], [0], [1], [0, 0, 1, 1], [], []>, transpose_lhs_hint = false} : vector<512x8xf32>, vector<8x4096xf32>, vector<512x4096xf32> -> vector<512x4096xf32>
    %mul3A = arith.mulf %get3A_22, %get3A_22 : vector<512x8xf32>
    %reduce_sum3A = arith.constant dense<0.000000e+00> : vector<512xf32>
    %reduce_sum3A_30 = vector.multi_reduction <add>, %mul3A, %reduce_sum3A [1] : vector<512x8xf32> to vector<512xf32>
    %broadcast_in_dim3A = vector.shape_cast %reduce_sum3A_30 : vector<512xf32> to vector<512x1xf32>
    %get3A_31 = arith.constant 0 : index
    %get3A_32 = arith.constant 0 : index
    %get3A_33 = arith.constant 0 : index
    %get3A_34 = vector.load %arg4[%get3A_31, %get3A_32, %get3A_33] : memref<1x1x4096xf32, #tpu.memory_space<vmem>>, vector<1x1x4096xf32>
    %get3A_35 = vector.shape_cast %get3A_34 : vector<1x1x4096xf32> to vector<1x4096xf32>
    %slice3A_36 = vector.extract_strided_slice %dot_general3A_29 {offsets = [0, 0], sizes = [512, 128], strides = [1, 1]} : vector<512x4096xf32> to vector<512x128xf32>
    %add3A_37 = vector.broadcast %broadcast_in_dim3A : vector<512x1xf32> to vector<512x128xf32>
    %add3A_38 = arith.addf %add3A_37, %slice3A_36 : vector<512x128xf32>
    %slice3A_39 = vector.extract_strided_slice %get3A_35 {offsets = [0, 0], sizes = [1, 128], strides = [1, 1]} : vector<1x4096xf32> to vector<1x128xf32>
    %add3A_40 = vector.broadcast %slice3A_39 : vector<1x128xf32> to vector<512x128xf32>
    %add3A_41 = arith.addf %add3A_38, %add3A_40 : vector<512x128xf32>
    %slice3A_42 = vector.extract_strided_slice %dot_general3A_29 {offsets = [0, 128], sizes = [512, 128], strides = [1, 1]} : vector<512x4096xf32> to vector<512x128xf32>
    %add3A_43 = vector.broadcast %broadcast_in_dim3A : vector<512x1xf32> to vector<512x128xf32>
    %add3A_44 = arith.addf %add3A_43, %slice3A_42 : vector<512x128xf32>
    %slice3A_45 = vector.extract_strided_slice %get3A_35 {offsets = [0, 128], sizes = [1, 128], strides = [1, 1]} : vector<1x4096xf32> to vector<1x128xf32>
    %add3A_46 = vector.broadcast %slice3A_45 : vector<1x128xf32> to vector<512x128xf32>
    %add3A_47 = arith.addf %add3A_44, %add3A_46 : vector<512x128xf32>
    %lt3A = arith.cmpf olt, %add3A_47, %add3A_41 : vector<512x128xf32>
    %convert_element_type3A = arith.extui %lt3A : vector<512x128xi1> to vector<512x128xi32>
    %convert_element_type3A_48 = arith.sitofp %convert_element_type3A : vector<512x128xi32> to vector<512x128xf32>
    %select_n3A = arith.select %lt3A, %add3A_47, %add3A_41 : vector<512x128xi1>, vector<512x128xf32>
    %select_n3A_49 = arith.select %lt3A, %add3A_41, %add3A_47 : vector<512x128xi1>, vector<512x128xf32>
    %add3A_50 = arith.constant 0.000000e+00 : f32
    %add3A_51 = vector.broadcast %add3A_50 : f32 to vector<512x128xf32>
    %add3A_52 = arith.addf %add3A_51, %convert_element_type3A_48 : vector<512x128xf32>
    %add3A_53 = arith.constant 0.000000e+00 : f32
    %add3A_54 = arith.constant 1.000000e+00 : f32
    %add3A_55 = arith.addf %add3A_53, %add3A_54 : f32
    %sub3A = vector.broadcast %add3A_55 : f32 to vector<512x128xf32>
    %sub3A_56 = arith.subf %sub3A, %convert_element_type3A_48 : vector<512x128xf32>
    %slice3A_57 = vector.extract_strided_slice %dot_general3A_29 {offsets = [0, 256], sizes = [512, 128], strides = [1, 1]} : vector<512x4096xf32> to vector<512x128xf32>
    %add3A_58 = vector.broadcast %broadcast_in_dim3A : vector<512x1xf32> to vector<512x128xf32>
    %add3A_59 = arith.addf %add3A_58, %slice3A_57 : vector<512x128xf32>
    %slice3A_60 = vector.extract_strided_slice %get3A_35 {offsets = [0, 256], sizes = [1, 128], strides = [1, 1]} : vector<1x4096xf32> to vector<1x128xf32>
    %add3A_61 = vector.broadcast %slice3A_60 : vector<1x128xf32> to vector<512x128xf32>
    %add3A_62 = arith.addf %add3A_59, %add3A_61 : vector<512x128xf32>
    %slice3A_63 = vector.extract_strided_slice %dot_general3A_29 {offsets = [0, 384], sizes = [512, 128], strides = [1, 1]} : vector<512x4096xf32> to vector<512x128xf32>
    %add3A_64 = vector.broadcast %broadcast_in_dim3A : vector<512x1xf32> to vector<512x128xf32>
    %add3A_65 = arith.addf %add3A_64, %slice3A_63 : vector<512x128xf32>
    %slice3A_66 = vector.extract_strided_slice %get3A_35 {offsets = [0, 384], sizes = [1, 128], strides = [1, 1]} : vector<1x4096xf32> to vector<1x128xf32>
    %add3A_67 = vector.broadcast %slice3A_66 : vector<1x128xf32> to vector<512x128xf32>
    %add3A_68 = arith.addf %add3A_65, %add3A_67 : vector<512x128xf32>
    %lt3A_69 = arith.cmpf olt, %add3A_68, %add3A_62 : vector<512x128xf32>
    %convert_element_type3A_70 = arith.extui %lt3A_69 : vector<512x128xi1> to vector<512x128xi32>
    %convert_element_type3A_71 = arith.sitofp %convert_element_type3A_70 : vector<512x128xi32> to vector<512x128xf32>
    %select_n3A_72 = arith.select %lt3A_69, %add3A_68, %add3A_62 : vector<512x128xi1>, vector<512x128xf32>
    %select_n3A_73 = arith.select %lt3A_69, %add3A_62, %add3A_68 : vector<512x128xi1>, vector<512x128xf32>
    %add3A_74 = arith.constant 2.000000e+00 : f32
    %add3A_75 = vector.broadcast %add3A_74 : f32 to vector<512x128xf32>
    %add3A_76 = arith.addf %add3A_75, %convert_element_type3A_71 : vector<512x128xf32>
    %add3A_77 = arith.constant 2.000000e+00 : f32
    %add3A_78 = arith.constant 1.000000e+00 : f32
    %add3A_79 = arith.addf %add3A_77, %add3A_78 : f32
    %sub3A_80 = vector.broadcast %add3A_79 : f32 to vector<512x128xf32>
    %sub3A_81 = arith.subf %sub3A_80, %convert_element_type3A_71 : vector<512x128xf32>
    %slice3A_82 = vector.extract_strided_slice %dot_general3A_29 {offsets = [0, 512], sizes = [512, 128], strides = [1, 1]} : vector<512x4096xf32> to vector<512x128xf32>
    %add3A_83 = vector.broadcast %broadcast_in_dim3A : vector<512x1xf32> to vector<512x128xf32>
    %add3A_84 = arith.addf %add3A_83, %slice3A_82 : vector<512x128xf32>
    %slice3A_85 = vector.extract_strided_slice %get3A_35 {offsets = [0, 512], sizes = [1, 128], strides = [1, 1]} : vector<1x4096xf32> to vector<1x128xf32>
    %add3A_86 = vector.broadcast %slice3A_85 : vector<1x128xf32> to vector<512x128xf32>
    %add3A_87 = arith.addf %add3A_84, %add3A_86 : vector<512x128xf32>
    %slice3A_88 = vector.extract_strided_slice %dot_general3A_29 {offsets = [0, 640], sizes = [512, 128], strides = [1, 1]} : vector<512x4096xf32> to vector<512x128xf32>
    %add3A_89 = vector.broadcast %broadcast_in_dim3A : vector<512x1xf32> to vector<512x128xf32>
    %add3A_90 = arith.addf %add3A_89, %slice3A_88 : vector<512x128xf32>
    %slice3A_91 = vector.extract_strided_slice %get3A_35 {offsets = [0, 640], sizes = [1, 128], strides = [1, 1]} : vector<1x4096xf32> to vector<1x128xf32>
    %add3A_92 = vector.broadcast %slice3A_91 : vector<1x128xf32> to vector<512x128xf32>
    %add3A_93 = arith.addf %add3A_90, %add3A_92 : vector<512x128xf32>
    %lt3A_94 = arith.cmpf olt, %add3A_93, %add3A_87 : vector<512x128xf32>
    %convert_element_type3A_95 = arith.extui %lt3A_94 : vector<512x128xi1> to vector<512x128xi32>
    %convert_element_type3A_96 = arith.sitofp %convert_element_type3A_95 : vector<512x128xi32> to vector<512x128xf32>
    %select_n3A_97 = arith.select %lt3A_94, %add3A_93, %add3A_87 : vector<512x128xi1>, vector<512x128xf32>
    %select_n3A_98 = arith.select %lt3A_94, %add3A_87, %add3A_93 : vector<512x128xi1>, vector<512x128xf32>
    %add3A_99 = arith.constant 4.000000e+00 : f32
    %add3A_100 = vector.broadcast %add3A_99 : f32 to vector<512x128xf32>
    %add3A_101 = arith.addf %add3A_100, %convert_element_type3A_96 : vector<512x128xf32>
    %add3A_102 = arith.constant 4.000000e+00 : f32
    %add3A_103 = arith.constant 1.000000e+00 : f32
    %add3A_104 = arith.addf %add3A_102, %add3A_103 : f32
    %sub3A_105 = vector.broadcast %add3A_104 : f32 to vector<512x128xf32>
    %sub3A_106 = arith.subf %sub3A_105, %convert_element_type3A_96 : vector<512x128xf32>
    %slice3A_107 = vector.extract_strided_slice %dot_general3A_29 {offsets = [0, 768], sizes = [512, 128], strides = [1, 1]} : vector<512x4096xf32> to vector<512x128xf32>
    %add3A_108 = vector.broadcast %broadcast_in_dim3A : vector<512x1xf32> to vector<512x128xf32>
    %add3A_109 = arith.addf %add3A_108, %slice3A_107 : vector<512x128xf32>
    %slice3A_110 = vector.extract_strided_slice %get3A_35 {offsets = [0, 768], sizes = [1, 128], strides = [1, 1]} : vector<1x4096xf32> to vector<1x128xf32>
    %add3A_111 = vector.broadcast %slice3A_110 : vector<1x128xf32> to vector<512x128xf32>
    %add3A_112 = arith.addf %add3A_109, %add3A_111 : vector<512x128xf32>
    %slice3A_113 = vector.extract_strided_slice %dot_general3A_29 {offsets = [0, 896], sizes = [512, 128], strides = [1, 1]} : vector<512x4096xf32> to vector<512x128xf32>
    %add3A_114 = vector.broadcast %broadcast_in_dim3A : vector<512x1xf32> to vector<512x128xf32>
    %add3A_115 = arith.addf %add3A_114, %slice3A_113 : vector<512x128xf32>
    %slice3A_116 = vector.extract_strided_slice %get3A_35 {offsets = [0, 896], sizes = [1, 128], strides = [1, 1]} : vector<1x4096xf32> to vector<1x128xf32>
    %add3A_117 = vector.broadcast %slice3A_116 : vector<1x128xf32> to vector<512x128xf32>
    %add3A_118 = arith.addf %add3A_115, %add3A_117 : vector<512x128xf32>
    %lt3A_119 = arith.cmpf olt, %add3A_118, %add3A_112 : vector<512x128xf32>
    %convert_element_type3A_120 = arith.extui %lt3A_119 : vector<512x128xi1> to vector<512x128xi32>
    %convert_element_type3A_121 = arith.sitofp %convert_element_type3A_120 : vector<512x128xi32> to vector<512x128xf32>
    %select_n3A_122 = arith.select %lt3A_119, %add3A_118, %add3A_112 : vector<512x128xi1>, vector<512x128xf32>
    %select_n3A_123 = arith.select %lt3A_119, %add3A_112, %add3A_118 : vector<512x128xi1>, vector<512x128xf32>
    %add3A_124 = arith.constant 6.000000e+00 : f32
    %add3A_125 = vector.broadcast %add3A_124 : f32 to vector<512x128xf32>
    %add3A_126 = arith.addf %add3A_125, %convert_element_type3A_121 : vector<512x128xf32>
    %add3A_127 = arith.constant 6.000000e+00 : f32
    %add3A_128 = arith.constant 1.000000e+00 : f32
    %add3A_129 = arith.addf %add3A_127, %add3A_128 : f32
    %sub3A_130 = vector.broadcast %add3A_129 : f32 to vector<512x128xf32>
    %sub3A_131 = arith.subf %sub3A_130, %convert_element_type3A_121 : vector<512x128xf32>
    %slice3A_132 = vector.extract_strided_slice %dot_general3A_29 {offsets = [0, 1024], sizes = [512, 128], strides = [1, 1]} : vector<512x4096xf32> to vector<512x128xf32>
    %add3A_133 = vector.broadcast %broadcast_in_dim3A : vector<512x1xf32> to vector<512x128xf32>
    %add3A_134 = arith.addf %add3A_133, %slice3A_132 : vector<512x128xf32>
    %slice3A_135 = vector.extract_strided_slice %get3A_35 {offsets = [0, 1024], sizes = [1, 128], strides = [1, 1]} : vector<1x4096xf32> to vector<1x128xf32>
    %add3A_136 = vector.broadcast %slice3A_135 : vector<1x128xf32> to vector<512x128xf32>
    %add3A_137 = arith.addf %add3A_134, %add3A_136 : vector<512x128xf32>
    %slice3A_138 = vector.extract_strided_slice %dot_general3A_29 {offsets = [0, 1152], sizes = [512, 128], strides = [1, 1]} : vector<512x4096xf32> to vector<512x128xf32>
    %add3A_139 = vector.broadcast %broadcast_in_dim3A : vector<512x1xf32> to vector<512x128xf32>
    %add3A_140 = arith.addf %add3A_139, %slice3A_138 : vector<512x128xf32>
    %slice3A_141 = vector.extract_strided_slice %get3A_35 {offsets = [0, 1152], sizes = [1, 128], strides = [1, 1]} : vector<1x4096xf32> to vector<1x128xf32>
    %add3A_142 = vector.broadcast %slice3A_141 : vector<1x128xf32> to vector<512x128xf32>
    %add3A_143 = arith.addf %add3A_140, %add3A_142 : vector<512x128xf32>
    %lt3A_144 = arith.cmpf olt, %add3A_143, %add3A_137 : vector<512x128xf32>
    %convert_element_type3A_145 = arith.extui %lt3A_144 : vector<512x128xi1> to vector<512x128xi32>
    %convert_element_type3A_146 = arith.sitofp %convert_element_type3A_145 : vector<512x128xi32> to vector<512x128xf32>
    %select_n3A_147 = arith.select %lt3A_144, %add3A_143, %add3A_137 : vector<512x128xi1>, vector<512x128xf32>
    %select_n3A_148 = arith.select %lt3A_144, %add3A_137, %add3A_143 : vector<512x128xi1>, vector<512x128xf32>
    %add3A_149 = arith.constant 8.000000e+00 : f32
    %add3A_150 = vector.broadcast %add3A_149 : f32 to vector<512x128xf32>
    %add3A_151 = arith.addf %add3A_150, %convert_element_type3A_146 : vector<512x128xf32>
    %add3A_152 = arith.constant 8.000000e+00 : f32
    %add3A_153 = arith.constant 1.000000e+00 : f32
    %add3A_154 = arith.addf %add3A_152, %add3A_153 : f32
    %sub3A_155 = vector.broadcast %add3A_154 : f32 to vector<512x128xf32>
    %sub3A_156 = arith.subf %sub3A_155, %convert_element_type3A_146 : vector<512x128xf32>
    %slice3A_157 = vector.extract_strided_slice %dot_general3A_29 {offsets = [0, 1280], sizes = [512, 128], strides = [1, 1]} : vector<512x4096xf32> to vector<512x128xf32>
    %add3A_158 = vector.broadcast %broadcast_in_dim3A : vector<512x1xf32> to vector<512x128xf32>
    %add3A_159 = arith.addf %add3A_158, %slice3A_157 : vector<512x128xf32>
    %slice3A_160 = vector.extract_strided_slice %get3A_35 {offsets = [0, 1280], sizes = [1, 128], strides = [1, 1]} : vector<1x4096xf32> to vector<1x128xf32>
    %add3A_161 = vector.broadcast %slice3A_160 : vector<1x128xf32> to vector<512x128xf32>
    %add3A_162 = arith.addf %add3A_159, %add3A_161 : vector<512x128xf32>
    %slice3A_163 = vector.extract_strided_slice %dot_general3A_29 {offsets = [0, 1408], sizes = [512, 128], strides = [1, 1]} : vector<512x4096xf32> to vector<512x128xf32>
    %add3A_164 = vector.broadcast %broadcast_in_dim3A : vector<512x1xf32> to vector<512x128xf32>
    %add3A_165 = arith.addf %add3A_164, %slice3A_163 : vector<512x128xf32>
    %slice3A_166 = vector.extract_strided_slice %get3A_35 {offsets = [0, 1408], sizes = [1, 128], strides = [1, 1]} : vector<1x4096xf32> to vector<1x128xf32>
    %add3A_167 = vector.broadcast %slice3A_166 : vector<1x128xf32> to vector<512x128xf32>
    %add3A_168 = arith.addf %add3A_165, %add3A_167 : vector<512x128xf32>
    %lt3A_169 = arith.cmpf olt, %add3A_168, %add3A_162 : vector<512x128xf32>
    %convert_element_type3A_170 = arith.extui %lt3A_169 : vector<512x128xi1> to vector<512x128xi32>
    %convert_element_type3A_171 = arith.sitofp %convert_element_type3A_170 : vector<512x128xi32> to vector<512x128xf32>
    %select_n3A_172 = arith.select %lt3A_169, %add3A_168, %add3A_162 : vector<512x128xi1>, vector<512x128xf32>
    %select_n3A_173 = arith.select %lt3A_169, %add3A_162, %add3A_168 : vector<512x128xi1>, vector<512x128xf32>
    %add3A_174 = arith.constant 1.000000e+01 : f32
    %add3A_175 = vector.broadcast %add3A_174 : f32 to vector<512x128xf32>
    %add3A_176 = arith.addf %add3A_175, %convert_element_type3A_171 : vector<512x128xf32>
    %add3A_177 = arith.constant 1.000000e+01 : f32
    %add3A_178 = arith.constant 1.000000e+00 : f32
    %add3A_179 = arith.addf %add3A_177, %add3A_178 : f32
    %sub3A_180 = vector.broadcast %add3A_179 : f32 to vector<512x128xf32>
    %sub3A_181 = arith.subf %sub3A_180, %convert_element_type3A_171 : vector<512x128xf32>
    %slice3A_182 = vector.extract_strided_slice %dot_general3A_29 {offsets = [0, 1536], sizes = [512, 128], strides = [1, 1]} : vector<512x4096xf32> to vector<512x128xf32>
    %add3A_183 = vector.broadcast %broadcast_in_dim3A : vector<512x1xf32> to vector<512x128xf32>
    %add3A_184 = arith.addf %add3A_183, %slice3A_182 : vector<512x128xf32>
    %slice3A_185 = vector.extract_strided_slice %get3A_35 {offsets = [0, 1536], sizes = [1, 128], strides = [1, 1]} : vector<1x4096xf32> to vector<1x128xf32>
    %add3A_186 = vector.broadcast %slice3A_185 : vector<1x128xf32> to vector<512x128xf32>
    %add3A_187 = arith.addf %add3A_184, %add3A_186 : vector<512x128xf32>
    %slice3A_188 = vector.extract_strided_slice %dot_general3A_29 {offsets = [0, 1664], sizes = [512, 128], strides = [1, 1]} : vector<512x4096xf32> to vector<512x128xf32>
    %add3A_189 = vector.broadcast %broadcast_in_dim3A : vector<512x1xf32> to vector<512x128xf32>
    %add3A_190 = arith.addf %add3A_189, %slice3A_188 : vector<512x128xf32>
    %slice3A_191 = vector.extract_strided_slice %get3A_35 {offsets = [0, 1664], sizes = [1, 128], strides = [1, 1]} : vector<1x4096xf32> to vector<1x128xf32>
    %add3A_192 = vector.broadcast %slice3A_191 : vector<1x128xf32> to vector<512x128xf32>
    %add3A_193 = arith.addf %add3A_190, %add3A_192 : vector<512x128xf32>
    %lt3A_194 = arith.cmpf olt, %add3A_193, %add3A_187 : vector<512x128xf32>
    %convert_element_type3A_195 = arith.extui %lt3A_194 : vector<512x128xi1> to vector<512x128xi32>
    %convert_element_type3A_196 = arith.sitofp %convert_element_type3A_195 : vector<512x128xi32> to vector<512x128xf32>
    %select_n3A_197 = arith.select %lt3A_194, %add3A_193, %add3A_187 : vector<512x128xi1>, vector<512x128xf32>
    %select_n3A_198 = arith.select %lt3A_194, %add3A_187, %add3A_193 : vector<512x128xi1>, vector<512x128xf32>
    %add3A_199 = arith.constant 1.200000e+01 : f32
    %add3A_200 = vector.broadcast %add3A_199 : f32 to vector<512x128xf32>
    %add3A_201 = arith.addf %add3A_200, %convert_element_type3A_196 : vector<512x128xf32>
    %add3A_202 = arith.constant 1.200000e+01 : f32
    %add3A_203 = arith.constant 1.000000e+00 : f32
    %add3A_204 = arith.addf %add3A_202, %add3A_203 : f32
    %sub3A_205 = vector.broadcast %add3A_204 : f32 to vector<512x128xf32>
    %sub3A_206 = arith.subf %sub3A_205, %convert_element_type3A_196 : vector<512x128xf32>
    %slice3A_207 = vector.extract_strided_slice %dot_general3A_29 {offsets = [0, 1792], sizes = [512, 128], strides = [1, 1]} : vector<512x4096xf32> to vector<512x128xf32>
    %add3A_208 = vector.broadcast %broadcast_in_dim3A : vector<512x1xf32> to vector<512x128xf32>
    %add3A_209 = arith.addf %add3A_208, %slice3A_207 : vector<512x128xf32>
    %slice3A_210 = vector.extract_strided_slice %get3A_35 {offsets = [0, 1792], sizes = [1, 128], strides = [1, 1]} : vector<1x4096xf32> to vector<1x128xf32>
    %add3A_211 = vector.broadcast %slice3A_210 : vector<1x128xf32> to vector<512x128xf32>
    %add3A_212 = arith.addf %add3A_209, %add3A_211 : vector<512x128xf32>
    %slice3A_213 = vector.extract_strided_slice %dot_general3A_29 {offsets = [0, 1920], sizes = [512, 128], strides = [1, 1]} : vector<512x4096xf32> to vector<512x128xf32>
    %add3A_214 = vector.broadcast %broadcast_in_dim3A : vector<512x1xf32> to vector<512x128xf32>
    %add3A_215 = arith.addf %add3A_214, %slice3A_213 : vector<512x128xf32>
    %slice3A_216 = vector.extract_strided_slice %get3A_35 {offsets = [0, 1920], sizes = [1, 128], strides = [1, 1]} : vector<1x4096xf32> to vector<1x128xf32>
    %add3A_217 = vector.broadcast %slice3A_216 : vector<1x128xf32> to vector<512x128xf32>
    %add3A_218 = arith.addf %add3A_215, %add3A_217 : vector<512x128xf32>
    %lt3A_219 = arith.cmpf olt, %add3A_218, %add3A_212 : vector<512x128xf32>
    %convert_element_type3A_220 = arith.extui %lt3A_219 : vector<512x128xi1> to vector<512x128xi32>
    %convert_element_type3A_221 = arith.sitofp %convert_element_type3A_220 : vector<512x128xi32> to vector<512x128xf32>
    %select_n3A_222 = arith.select %lt3A_219, %add3A_218, %add3A_212 : vector<512x128xi1>, vector<512x128xf32>
    %select_n3A_223 = arith.select %lt3A_219, %add3A_212, %add3A_218 : vector<512x128xi1>, vector<512x128xf32>
    %add3A_224 = arith.constant 1.400000e+01 : f32
    %add3A_225 = vector.broadcast %add3A_224 : f32 to vector<512x128xf32>
    %add3A_226 = arith.addf %add3A_225, %convert_element_type3A_221 : vector<512x128xf32>
    %add3A_227 = arith.constant 1.400000e+01 : f32
    %add3A_228 = arith.constant 1.000000e+00 : f32
    %add3A_229 = arith.addf %add3A_227, %add3A_228 : f32
    %sub3A_230 = vector.broadcast %add3A_229 : f32 to vector<512x128xf32>
    %sub3A_231 = arith.subf %sub3A_230, %convert_element_type3A_221 : vector<512x128xf32>
    %slice3A_232 = vector.extract_strided_slice %dot_general3A_29 {offsets = [0, 2048], sizes = [512, 128], strides = [1, 1]} : vector<512x4096xf32> to vector<512x128xf32>
    %add3A_233 = vector.broadcast %broadcast_in_dim3A : vector<512x1xf32> to vector<512x128xf32>
    %add3A_234 = arith.addf %add3A_233, %slice3A_232 : vector<512x128xf32>
    %slice3A_235 = vector.extract_strided_slice %get3A_35 {offsets = [0, 2048], sizes = [1, 128], strides = [1, 1]} : vector<1x4096xf32> to vector<1x128xf32>
    %add3A_236 = vector.broadcast %slice3A_235 : vector<1x128xf32> to vector<512x128xf32>
    %add3A_237 = arith.addf %add3A_234, %add3A_236 : vector<512x128xf32>
    %slice3A_238 = vector.extract_strided_slice %dot_general3A_29 {offsets = [0, 2176], sizes = [512, 128], strides = [1, 1]} : vector<512x4096xf32> to vector<512x128xf32>
    %add3A_239 = vector.broadcast %broadcast_in_dim3A : vector<512x1xf32> to vector<512x128xf32>
    %add3A_240 = arith.addf %add3A_239, %slice3A_238 : vector<512x128xf32>
    %slice3A_241 = vector.extract_strided_slice %get3A_35 {offsets = [0, 2176], sizes = [1, 128], strides = [1, 1]} : vector<1x4096xf32> to vector<1x128xf32>
    %add3A_242 = vector.broadcast %slice3A_241 : vector<1x128xf32> to vector<512x128xf32>
    %add3A_243 = arith.addf %add3A_240, %add3A_242 : vector<512x128xf32>
    %lt3A_244 = arith.cmpf olt, %add3A_243, %add3A_237 : vector<512x128xf32>
    %convert_element_type3A_245 = arith.extui %lt3A_244 : vector<512x128xi1> to vector<512x128xi32>
    %convert_element_type3A_246 = arith.sitofp %convert_element_type3A_245 : vector<512x128xi32> to vector<512x128xf32>
    %select_n3A_247 = arith.select %lt3A_244, %add3A_243, %add3A_237 : vector<512x128xi1>, vector<512x128xf32>
    %select_n3A_248 = arith.select %lt3A_244, %add3A_237, %add3A_243 : vector<512x128xi1>, vector<512x128xf32>
    %add3A_249 = arith.constant 1.600000e+01 : f32
    %add3A_250 = vector.broadcast %add3A_249 : f32 to vector<512x128xf32>
    %add3A_251 = arith.addf %add3A_250, %convert_element_type3A_246 : vector<512x128xf32>
    %add3A_252 = arith.constant 1.600000e+01 : f32
    %add3A_253 = arith.constant 1.000000e+00 : f32
    %add3A_254 = arith.addf %add3A_252, %add3A_253 : f32
    %sub3A_255 = vector.broadcast %add3A_254 : f32 to vector<512x128xf32>
    %sub3A_256 = arith.subf %sub3A_255, %convert_element_type3A_246 : vector<512x128xf32>
    %slice3A_257 = vector.extract_strided_slice %dot_general3A_29 {offsets = [0, 2304], sizes = [512, 128], strides = [1, 1]} : vector<512x4096xf32> to vector<512x128xf32>
    %add3A_258 = vector.broadcast %broadcast_in_dim3A : vector<512x1xf32> to vector<512x128xf32>
    %add3A_259 = arith.addf %add3A_258, %slice3A_257 : vector<512x128xf32>
    %slice3A_260 = vector.extract_strided_slice %get3A_35 {offsets = [0, 2304], sizes = [1, 128], strides = [1, 1]} : vector<1x4096xf32> to vector<1x128xf32>
    %add3A_261 = vector.broadcast %slice3A_260 : vector<1x128xf32> to vector<512x128xf32>
    %add3A_262 = arith.addf %add3A_259, %add3A_261 : vector<512x128xf32>
    %slice3A_263 = vector.extract_strided_slice %dot_general3A_29 {offsets = [0, 2432], sizes = [512, 128], strides = [1, 1]} : vector<512x4096xf32> to vector<512x128xf32>
    %add3A_264 = vector.broadcast %broadcast_in_dim3A : vector<512x1xf32> to vector<512x128xf32>
    %add3A_265 = arith.addf %add3A_264, %slice3A_263 : vector<512x128xf32>
    %slice3A_266 = vector.extract_strided_slice %get3A_35 {offsets = [0, 2432], sizes = [1, 128], strides = [1, 1]} : vector<1x4096xf32> to vector<1x128xf32>
    %add3A_267 = vector.broadcast %slice3A_266 : vector<1x128xf32> to vector<512x128xf32>
    %add3A_268 = arith.addf %add3A_265, %add3A_267 : vector<512x128xf32>
    %lt3A_269 = arith.cmpf olt, %add3A_268, %add3A_262 : vector<512x128xf32>
    %convert_element_type3A_270 = arith.extui %lt3A_269 : vector<512x128xi1> to vector<512x128xi32>
    %convert_element_type3A_271 = arith.sitofp %convert_element_type3A_270 : vector<512x128xi32> to vector<512x128xf32>
    %select_n3A_272 = arith.select %lt3A_269, %add3A_268, %add3A_262 : vector<512x128xi1>, vector<512x128xf32>
    %select_n3A_273 = arith.select %lt3A_269, %add3A_262, %add3A_268 : vector<512x128xi1>, vector<512x128xf32>
    %add3A_274 = arith.constant 1.800000e+01 : f32
    %add3A_275 = vector.broadcast %add3A_274 : f32 to vector<512x128xf32>
    %add3A_276 = arith.addf %add3A_275, %convert_element_type3A_271 : vector<512x128xf32>
    %add3A_277 = arith.constant 1.800000e+01 : f32
    %add3A_278 = arith.constant 1.000000e+00 : f32
    %add3A_279 = arith.addf %add3A_277, %add3A_278 : f32
    %sub3A_280 = vector.broadcast %add3A_279 : f32 to vector<512x128xf32>
    %sub3A_281 = arith.subf %sub3A_280, %convert_element_type3A_271 : vector<512x128xf32>
    %slice3A_282 = vector.extract_strided_slice %dot_general3A_29 {offsets = [0, 2560], sizes = [512, 128], strides = [1, 1]} : vector<512x4096xf32> to vector<512x128xf32>
    %add3A_283 = vector.broadcast %broadcast_in_dim3A : vector<512x1xf32> to vector<512x128xf32>
    %add3A_284 = arith.addf %add3A_283, %slice3A_282 : vector<512x128xf32>
    %slice3A_285 = vector.extract_strided_slice %get3A_35 {offsets = [0, 2560], sizes = [1, 128], strides = [1, 1]} : vector<1x4096xf32> to vector<1x128xf32>
    %add3A_286 = vector.broadcast %slice3A_285 : vector<1x128xf32> to vector<512x128xf32>
    %add3A_287 = arith.addf %add3A_284, %add3A_286 : vector<512x128xf32>
    %slice3A_288 = vector.extract_strided_slice %dot_general3A_29 {offsets = [0, 2688], sizes = [512, 128], strides = [1, 1]} : vector<512x4096xf32> to vector<512x128xf32>
    %add3A_289 = vector.broadcast %broadcast_in_dim3A : vector<512x1xf32> to vector<512x128xf32>
    %add3A_290 = arith.addf %add3A_289, %slice3A_288 : vector<512x128xf32>
    %slice3A_291 = vector.extract_strided_slice %get3A_35 {offsets = [0, 2688], sizes = [1, 128], strides = [1, 1]} : vector<1x4096xf32> to vector<1x128xf32>
    %add3A_292 = vector.broadcast %slice3A_291 : vector<1x128xf32> to vector<512x128xf32>
    %add3A_293 = arith.addf %add3A_290, %add3A_292 : vector<512x128xf32>
    %lt3A_294 = arith.cmpf olt, %add3A_293, %add3A_287 : vector<512x128xf32>
    %convert_element_type3A_295 = arith.extui %lt3A_294 : vector<512x128xi1> to vector<512x128xi32>
    %convert_element_type3A_296 = arith.sitofp %convert_element_type3A_295 : vector<512x128xi32> to vector<512x128xf32>
    %select_n3A_297 = arith.select %lt3A_294, %add3A_293, %add3A_287 : vector<512x128xi1>, vector<512x128xf32>
    %select_n3A_298 = arith.select %lt3A_294, %add3A_287, %add3A_293 : vector<512x128xi1>, vector<512x128xf32>
    %add3A_299 = arith.constant 2.000000e+01 : f32
    %add3A_300 = vector.broadcast %add3A_299 : f32 to vector<512x128xf32>
    %add3A_301 = arith.addf %add3A_300, %convert_element_type3A_296 : vector<512x128xf32>
    %add3A_302 = arith.constant 2.000000e+01 : f32
    %add3A_303 = arith.constant 1.000000e+00 : f32
    %add3A_304 = arith.addf %add3A_302, %add3A_303 : f32
    %sub3A_305 = vector.broadcast %add3A_304 : f32 to vector<512x128xf32>
    %sub3A_306 = arith.subf %sub3A_305, %convert_element_type3A_296 : vector<512x128xf32>
    %slice3A_307 = vector.extract_strided_slice %dot_general3A_29 {offsets = [0, 2816], sizes = [512, 128], strides = [1, 1]} : vector<512x4096xf32> to vector<512x128xf32>
    %add3A_308 = vector.broadcast %broadcast_in_dim3A : vector<512x1xf32> to vector<512x128xf32>
    %add3A_309 = arith.addf %add3A_308, %slice3A_307 : vector<512x128xf32>
    %slice3A_310 = vector.extract_strided_slice %get3A_35 {offsets = [0, 2816], sizes = [1, 128], strides = [1, 1]} : vector<1x4096xf32> to vector<1x128xf32>
    %add3A_311 = vector.broadcast %slice3A_310 : vector<1x128xf32> to vector<512x128xf32>
    %add3A_312 = arith.addf %add3A_309, %add3A_311 : vector<512x128xf32>
    %slice3A_313 = vector.extract_strided_slice %dot_general3A_29 {offsets = [0, 2944], sizes = [512, 128], strides = [1, 1]} : vector<512x4096xf32> to vector<512x128xf32>
    %add3A_314 = vector.broadcast %broadcast_in_dim3A : vector<512x1xf32> to vector<512x128xf32>
    %add3A_315 = arith.addf %add3A_314, %slice3A_313 : vector<512x128xf32>
    %slice3A_316 = vector.extract_strided_slice %get3A_35 {offsets = [0, 2944], sizes = [1, 128], strides = [1, 1]} : vector<1x4096xf32> to vector<1x128xf32>
    %add3A_317 = vector.broadcast %slice3A_316 : vector<1x128xf32> to vector<512x128xf32>
    %add3A_318 = arith.addf %add3A_315, %add3A_317 : vector<512x128xf32>
    %lt3A_319 = arith.cmpf olt, %add3A_318, %add3A_312 : vector<512x128xf32>
    %convert_element_type3A_320 = arith.extui %lt3A_319 : vector<512x128xi1> to vector<512x128xi32>
    %convert_element_type3A_321 = arith.sitofp %convert_element_type3A_320 : vector<512x128xi32> to vector<512x128xf32>
    %select_n3A_322 = arith.select %lt3A_319, %add3A_318, %add3A_312 : vector<512x128xi1>, vector<512x128xf32>
    %select_n3A_323 = arith.select %lt3A_319, %add3A_312, %add3A_318 : vector<512x128xi1>, vector<512x128xf32>
    %add3A_324 = arith.constant 2.200000e+01 : f32
    %add3A_325 = vector.broadcast %add3A_324 : f32 to vector<512x128xf32>
    %add3A_326 = arith.addf %add3A_325, %convert_element_type3A_321 : vector<512x128xf32>
    %add3A_327 = arith.constant 2.200000e+01 : f32
    %add3A_328 = arith.constant 1.000000e+00 : f32
    %add3A_329 = arith.addf %add3A_327, %add3A_328 : f32
    %sub3A_330 = vector.broadcast %add3A_329 : f32 to vector<512x128xf32>
    %sub3A_331 = arith.subf %sub3A_330, %convert_element_type3A_321 : vector<512x128xf32>
    %slice3A_332 = vector.extract_strided_slice %dot_general3A_29 {offsets = [0, 3072], sizes = [512, 128], strides = [1, 1]} : vector<512x4096xf32> to vector<512x128xf32>
    %add3A_333 = vector.broadcast %broadcast_in_dim3A : vector<512x1xf32> to vector<512x128xf32>
    %add3A_334 = arith.addf %add3A_333, %slice3A_332 : vector<512x128xf32>
    %slice3A_335 = vector.extract_strided_slice %get3A_35 {offsets = [0, 3072], sizes = [1, 128], strides = [1, 1]} : vector<1x4096xf32> to vector<1x128xf32>
    %add3A_336 = vector.broadcast %slice3A_335 : vector<1x128xf32> to vector<512x128xf32>
    %add3A_337 = arith.addf %add3A_334, %add3A_336 : vector<512x128xf32>
    %slice3A_338 = vector.extract_strided_slice %dot_general3A_29 {offsets = [0, 3200], sizes = [512, 128], strides = [1, 1]} : vector<512x4096xf32> to vector<512x128xf32>
    %add3A_339 = vector.broadcast %broadcast_in_dim3A : vector<512x1xf32> to vector<512x128xf32>
    %add3A_340 = arith.addf %add3A_339, %slice3A_338 : vector<512x128xf32>
    %slice3A_341 = vector.extract_strided_slice %get3A_35 {offsets = [0, 3200], sizes = [1, 128], strides = [1, 1]} : vector<1x4096xf32> to vector<1x128xf32>
    %add3A_342 = vector.broadcast %slice3A_341 : vector<1x128xf32> to vector<512x128xf32>
    %add3A_343 = arith.addf %add3A_340, %add3A_342 : vector<512x128xf32>
    %lt3A_344 = arith.cmpf olt, %add3A_343, %add3A_337 : vector<512x128xf32>
    %convert_element_type3A_345 = arith.extui %lt3A_344 : vector<512x128xi1> to vector<512x128xi32>
    %convert_element_type3A_346 = arith.sitofp %convert_element_type3A_345 : vector<512x128xi32> to vector<512x128xf32>
    %select_n3A_347 = arith.select %lt3A_344, %add3A_343, %add3A_337 : vector<512x128xi1>, vector<512x128xf32>
    %select_n3A_348 = arith.select %lt3A_344, %add3A_337, %add3A_343 : vector<512x128xi1>, vector<512x128xf32>
    %add3A_349 = arith.constant 2.400000e+01 : f32
    %add3A_350 = vector.broadcast %add3A_349 : f32 to vector<512x128xf32>
    %add3A_351 = arith.addf %add3A_350, %convert_element_type3A_346 : vector<512x128xf32>
    %add3A_352 = arith.constant 2.400000e+01 : f32
    %add3A_353 = arith.constant 1.000000e+00 : f32
    %add3A_354 = arith.addf %add3A_352, %add3A_353 : f32
    %sub3A_355 = vector.broadcast %add3A_354 : f32 to vector<512x128xf32>
    %sub3A_356 = arith.subf %sub3A_355, %convert_element_type3A_346 : vector<512x128xf32>
    %slice3A_357 = vector.extract_strided_slice %dot_general3A_29 {offsets = [0, 3328], sizes = [512, 128], strides = [1, 1]} : vector<512x4096xf32> to vector<512x128xf32>
    %add3A_358 = vector.broadcast %broadcast_in_dim3A : vector<512x1xf32> to vector<512x128xf32>
    %add3A_359 = arith.addf %add3A_358, %slice3A_357 : vector<512x128xf32>
    %slice3A_360 = vector.extract_strided_slice %get3A_35 {offsets = [0, 3328], sizes = [1, 128], strides = [1, 1]} : vector<1x4096xf32> to vector<1x128xf32>
    %add3A_361 = vector.broadcast %slice3A_360 : vector<1x128xf32> to vector<512x128xf32>
    %add3A_362 = arith.addf %add3A_359, %add3A_361 : vector<512x128xf32>
    %slice3A_363 = vector.extract_strided_slice %dot_general3A_29 {offsets = [0, 3456], sizes = [512, 128], strides = [1, 1]} : vector<512x4096xf32> to vector<512x128xf32>
    %add3A_364 = vector.broadcast %broadcast_in_dim3A : vector<512x1xf32> to vector<512x128xf32>
    %add3A_365 = arith.addf %add3A_364, %slice3A_363 : vector<512x128xf32>
    %slice3A_366 = vector.extract_strided_slice %get3A_35 {offsets = [0, 3456], sizes = [1, 128], strides = [1, 1]} : vector<1x4096xf32> to vector<1x128xf32>
    %add3A_367 = vector.broadcast %slice3A_366 : vector<1x128xf32> to vector<512x128xf32>
    %add3A_368 = arith.addf %add3A_365, %add3A_367 : vector<512x128xf32>
    %lt3A_369 = arith.cmpf olt, %add3A_368, %add3A_362 : vector<512x128xf32>
    %convert_element_type3A_370 = arith.extui %lt3A_369 : vector<512x128xi1> to vector<512x128xi32>
    %convert_element_type3A_371 = arith.sitofp %convert_element_type3A_370 : vector<512x128xi32> to vector<512x128xf32>
    %select_n3A_372 = arith.select %lt3A_369, %add3A_368, %add3A_362 : vector<512x128xi1>, vector<512x128xf32>
    %select_n3A_373 = arith.select %lt3A_369, %add3A_362, %add3A_368 : vector<512x128xi1>, vector<512x128xf32>
    %add3A_374 = arith.constant 2.600000e+01 : f32
    %add3A_375 = vector.broadcast %add3A_374 : f32 to vector<512x128xf32>
    %add3A_376 = arith.addf %add3A_375, %convert_element_type3A_371 : vector<512x128xf32>
    %add3A_377 = arith.constant 2.600000e+01 : f32
    %add3A_378 = arith.constant 1.000000e+00 : f32
    %add3A_379 = arith.addf %add3A_377, %add3A_378 : f32
    %sub3A_380 = vector.broadcast %add3A_379 : f32 to vector<512x128xf32>
    %sub3A_381 = arith.subf %sub3A_380, %convert_element_type3A_371 : vector<512x128xf32>
    %slice3A_382 = vector.extract_strided_slice %dot_general3A_29 {offsets = [0, 3584], sizes = [512, 128], strides = [1, 1]} : vector<512x4096xf32> to vector<512x128xf32>
    %add3A_383 = vector.broadcast %broadcast_in_dim3A : vector<512x1xf32> to vector<512x128xf32>
    %add3A_384 = arith.addf %add3A_383, %slice3A_382 : vector<512x128xf32>
    %slice3A_385 = vector.extract_strided_slice %get3A_35 {offsets = [0, 3584], sizes = [1, 128], strides = [1, 1]} : vector<1x4096xf32> to vector<1x128xf32>
    %add3A_386 = vector.broadcast %slice3A_385 : vector<1x128xf32> to vector<512x128xf32>
    %add3A_387 = arith.addf %add3A_384, %add3A_386 : vector<512x128xf32>
    %slice3A_388 = vector.extract_strided_slice %dot_general3A_29 {offsets = [0, 3712], sizes = [512, 128], strides = [1, 1]} : vector<512x4096xf32> to vector<512x128xf32>
    %add3A_389 = vector.broadcast %broadcast_in_dim3A : vector<512x1xf32> to vector<512x128xf32>
    %add3A_390 = arith.addf %add3A_389, %slice3A_388 : vector<512x128xf32>
    %slice3A_391 = vector.extract_strided_slice %get3A_35 {offsets = [0, 3712], sizes = [1, 128], strides = [1, 1]} : vector<1x4096xf32> to vector<1x128xf32>
    %add3A_392 = vector.broadcast %slice3A_391 : vector<1x128xf32> to vector<512x128xf32>
    %add3A_393 = arith.addf %add3A_390, %add3A_392 : vector<512x128xf32>
    %lt3A_394 = arith.cmpf olt, %add3A_393, %add3A_387 : vector<512x128xf32>
    %convert_element_type3A_395 = arith.extui %lt3A_394 : vector<512x128xi1> to vector<512x128xi32>
    %convert_element_type3A_396 = arith.sitofp %convert_element_type3A_395 : vector<512x128xi32> to vector<512x128xf32>
    %select_n3A_397 = arith.select %lt3A_394, %add3A_393, %add3A_387 : vector<512x128xi1>, vector<512x128xf32>
    %select_n3A_398 = arith.select %lt3A_394, %add3A_387, %add3A_393 : vector<512x128xi1>, vector<512x128xf32>
    %add3A_399 = arith.constant 2.800000e+01 : f32
    %add3A_400 = vector.broadcast %add3A_399 : f32 to vector<512x128xf32>
    %add3A_401 = arith.addf %add3A_400, %convert_element_type3A_396 : vector<512x128xf32>
    %add3A_402 = arith.constant 2.800000e+01 : f32
    %add3A_403 = arith.constant 1.000000e+00 : f32
    %add3A_404 = arith.addf %add3A_402, %add3A_403 : f32
    %sub3A_405 = vector.broadcast %add3A_404 : f32 to vector<512x128xf32>
    %sub3A_406 = arith.subf %sub3A_405, %convert_element_type3A_396 : vector<512x128xf32>
    %slice3A_407 = vector.extract_strided_slice %dot_general3A_29 {offsets = [0, 3840], sizes = [512, 128], strides = [1, 1]} : vector<512x4096xf32> to vector<512x128xf32>
    %add3A_408 = vector.broadcast %broadcast_in_dim3A : vector<512x1xf32> to vector<512x128xf32>
    %add3A_409 = arith.addf %add3A_408, %slice3A_407 : vector<512x128xf32>
    %slice3A_410 = vector.extract_strided_slice %get3A_35 {offsets = [0, 3840], sizes = [1, 128], strides = [1, 1]} : vector<1x4096xf32> to vector<1x128xf32>
    %add3A_411 = vector.broadcast %slice3A_410 : vector<1x128xf32> to vector<512x128xf32>
    %add3A_412 = arith.addf %add3A_409, %add3A_411 : vector<512x128xf32>
    %slice3A_413 = vector.extract_strided_slice %dot_general3A_29 {offsets = [0, 3968], sizes = [512, 128], strides = [1, 1]} : vector<512x4096xf32> to vector<512x128xf32>
    %add3A_414 = vector.broadcast %broadcast_in_dim3A : vector<512x1xf32> to vector<512x128xf32>
    %add3A_415 = arith.addf %add3A_414, %slice3A_413 : vector<512x128xf32>
    %slice3A_416 = vector.extract_strided_slice %get3A_35 {offsets = [0, 3968], sizes = [1, 128], strides = [1, 1]} : vector<1x4096xf32> to vector<1x128xf32>
    %add3A_417 = vector.broadcast %slice3A_416 : vector<1x128xf32> to vector<512x128xf32>
    %add3A_418 = arith.addf %add3A_415, %add3A_417 : vector<512x128xf32>
    %lt3A_419 = arith.cmpf olt, %add3A_418, %add3A_412 : vector<512x128xf32>
    %convert_element_type3A_420 = arith.extui %lt3A_419 : vector<512x128xi1> to vector<512x128xi32>
    %convert_element_type3A_421 = arith.sitofp %convert_element_type3A_420 : vector<512x128xi32> to vector<512x128xf32>
    %select_n3A_422 = arith.select %lt3A_419, %add3A_418, %add3A_412 : vector<512x128xi1>, vector<512x128xf32>
    %select_n3A_423 = arith.select %lt3A_419, %add3A_412, %add3A_418 : vector<512x128xi1>, vector<512x128xf32>
    %add3A_424 = arith.constant 3.000000e+01 : f32
    %add3A_425 = vector.broadcast %add3A_424 : f32 to vector<512x128xf32>
    %add3A_426 = arith.addf %add3A_425, %convert_element_type3A_421 : vector<512x128xf32>
    %add3A_427 = arith.constant 3.000000e+01 : f32
    %add3A_428 = arith.constant 1.000000e+00 : f32
    %add3A_429 = arith.addf %add3A_427, %add3A_428 : f32
    %sub3A_430 = vector.broadcast %add3A_429 : f32 to vector<512x128xf32>
    %sub3A_431 = arith.subf %sub3A_430, %convert_element_type3A_421 : vector<512x128xf32>
    %lt3A_432 = arith.cmpf olt, %select_n3A_72, %select_n3A : vector<512x128xf32>
    %select_n3A_433 = arith.select %lt3A_432, %select_n3A_72, %select_n3A : vector<512x128xi1>, vector<512x128xf32>
    %select_n3A_434 = arith.select %lt3A_432, %add3A_76, %add3A_52 : vector<512x128xi1>, vector<512x128xf32>
    %select_n3A_435 = arith.select %lt3A_432, %select_n3A, %select_n3A_72 : vector<512x128xi1>, vector<512x128xf32>
    %select_n3A_436 = arith.select %lt3A_432, %add3A_52, %add3A_76 : vector<512x128xi1>, vector<512x128xf32>
    %lt3A_437 = arith.cmpf olt, %select_n3A_73, %select_n3A_49 : vector<512x128xf32>
    %select_n3A_438 = arith.select %lt3A_437, %select_n3A_49, %select_n3A_73 : vector<512x128xi1>, vector<512x128xf32>
    %select_n3A_439 = arith.select %lt3A_437, %sub3A_56, %sub3A_81 : vector<512x128xi1>, vector<512x128xf32>
    %select_n3A_440 = arith.select %lt3A_437, %select_n3A_73, %select_n3A_49 : vector<512x128xi1>, vector<512x128xf32>
    %select_n3A_441 = arith.select %lt3A_437, %sub3A_81, %sub3A_56 : vector<512x128xi1>, vector<512x128xf32>
    %lt3A_442 = arith.cmpf olt, %select_n3A_440, %select_n3A_435 : vector<512x128xf32>
    %select_n3A_443 = arith.select %lt3A_442, %select_n3A_440, %select_n3A_435 : vector<512x128xi1>, vector<512x128xf32>
    %select_n3A_444 = arith.select %lt3A_442, %select_n3A_435, %select_n3A_440 : vector<512x128xi1>, vector<512x128xf32>
    %select_n3A_445 = arith.select %lt3A_442, %select_n3A_441, %select_n3A_436 : vector<512x128xi1>, vector<512x128xf32>
    %select_n3A_446 = arith.select %lt3A_442, %select_n3A_436, %select_n3A_441 : vector<512x128xi1>, vector<512x128xf32>
    %lt3A_447 = arith.cmpf olt, %select_n3A_122, %select_n3A_97 : vector<512x128xf32>
    %select_n3A_448 = arith.select %lt3A_447, %select_n3A_122, %select_n3A_97 : vector<512x128xi1>, vector<512x128xf32>
    %select_n3A_449 = arith.select %lt3A_447, %add3A_126, %add3A_101 : vector<512x128xi1>, vector<512x128xf32>
    %select_n3A_450 = arith.select %lt3A_447, %select_n3A_97, %select_n3A_122 : vector<512x128xi1>, vector<512x128xf32>
    %select_n3A_451 = arith.select %lt3A_447, %add3A_101, %add3A_126 : vector<512x128xi1>, vector<512x128xf32>
    %lt3A_452 = arith.cmpf olt, %select_n3A_123, %select_n3A_98 : vector<512x128xf32>
    %select_n3A_453 = arith.select %lt3A_452, %select_n3A_98, %select_n3A_123 : vector<512x128xi1>, vector<512x128xf32>
    %select_n3A_454 = arith.select %lt3A_452, %sub3A_106, %sub3A_131 : vector<512x128xi1>, vector<512x128xf32>
    %select_n3A_455 = arith.select %lt3A_452, %select_n3A_123, %select_n3A_98 : vector<512x128xi1>, vector<512x128xf32>
    %select_n3A_456 = arith.select %lt3A_452, %sub3A_131, %sub3A_106 : vector<512x128xi1>, vector<512x128xf32>
    %lt3A_457 = arith.cmpf olt, %select_n3A_455, %select_n3A_450 : vector<512x128xf32>
    %select_n3A_458 = arith.select %lt3A_457, %select_n3A_455, %select_n3A_450 : vector<512x128xi1>, vector<512x128xf32>
    %select_n3A_459 = arith.select %lt3A_457, %select_n3A_450, %select_n3A_455 : vector<512x128xi1>, vector<512x128xf32>
    %select_n3A_460 = arith.select %lt3A_457, %select_n3A_456, %select_n3A_451 : vector<512x128xi1>, vector<512x128xf32>
    %select_n3A_461 = arith.select %lt3A_457, %select_n3A_451, %select_n3A_456 : vector<512x128xi1>, vector<512x128xf32>
    %lt3A_462 = arith.cmpf olt, %select_n3A_172, %select_n3A_147 : vector<512x128xf32>
    %select_n3A_463 = arith.select %lt3A_462, %select_n3A_172, %select_n3A_147 : vector<512x128xi1>, vector<512x128xf32>
    %select_n3A_464 = arith.select %lt3A_462, %add3A_176, %add3A_151 : vector<512x128xi1>, vector<512x128xf32>
    %select_n3A_465 = arith.select %lt3A_462, %select_n3A_147, %select_n3A_172 : vector<512x128xi1>, vector<512x128xf32>
    %select_n3A_466 = arith.select %lt3A_462, %add3A_151, %add3A_176 : vector<512x128xi1>, vector<512x128xf32>
    %lt3A_467 = arith.cmpf olt, %select_n3A_173, %select_n3A_148 : vector<512x128xf32>
    %select_n3A_468 = arith.select %lt3A_467, %select_n3A_148, %select_n3A_173 : vector<512x128xi1>, vector<512x128xf32>
    %select_n3A_469 = arith.select %lt3A_467, %sub3A_156, %sub3A_181 : vector<512x128xi1>, vector<512x128xf32>
    %select_n3A_470 = arith.select %lt3A_467, %select_n3A_173, %select_n3A_148 : vector<512x128xi1>, vector<512x128xf32>
    %select_n3A_471 = arith.select %lt3A_467, %sub3A_181, %sub3A_156 : vector<512x128xi1>, vector<512x128xf32>
    %lt3A_472 = arith.cmpf olt, %select_n3A_470, %select_n3A_465 : vector<512x128xf32>
    %select_n3A_473 = arith.select %lt3A_472, %select_n3A_470, %select_n3A_465 : vector<512x128xi1>, vector<512x128xf32>
    %select_n3A_474 = arith.select %lt3A_472, %select_n3A_465, %select_n3A_470 : vector<512x128xi1>, vector<512x128xf32>
    %select_n3A_475 = arith.select %lt3A_472, %select_n3A_471, %select_n3A_466 : vector<512x128xi1>, vector<512x128xf32>
    %select_n3A_476 = arith.select %lt3A_472, %select_n3A_466, %select_n3A_471 : vector<512x128xi1>, vector<512x128xf32>
    %lt3A_477 = arith.cmpf olt, %select_n3A_222, %select_n3A_197 : vector<512x128xf32>
    %select_n3A_478 = arith.select %lt3A_477, %select_n3A_222, %select_n3A_197 : vector<512x128xi1>, vector<512x128xf32>
    %select_n3A_479 = arith.select %lt3A_477, %add3A_226, %add3A_201 : vector<512x128xi1>, vector<512x128xf32>
    %select_n3A_480 = arith.select %lt3A_477, %select_n3A_197, %select_n3A_222 : vector<512x128xi1>, vector<512x128xf32>
    %select_n3A_481 = arith.select %lt3A_477, %add3A_201, %add3A_226 : vector<512x128xi1>, vector<512x128xf32>
    %lt3A_482 = arith.cmpf olt, %select_n3A_223, %select_n3A_198 : vector<512x128xf32>
    %select_n3A_483 = arith.select %lt3A_482, %select_n3A_198, %select_n3A_223 : vector<512x128xi1>, vector<512x128xf32>
    %select_n3A_484 = arith.select %lt3A_482, %sub3A_206, %sub3A_231 : vector<512x128xi1>, vector<512x128xf32>
    %select_n3A_485 = arith.select %lt3A_482, %select_n3A_223, %select_n3A_198 : vector<512x128xi1>, vector<512x128xf32>
    %select_n3A_486 = arith.select %lt3A_482, %sub3A_231, %sub3A_206 : vector<512x128xi1>, vector<512x128xf32>
    %lt3A_487 = arith.cmpf olt, %select_n3A_485, %select_n3A_480 : vector<512x128xf32>
    %select_n3A_488 = arith.select %lt3A_487, %select_n3A_485, %select_n3A_480 : vector<512x128xi1>, vector<512x128xf32>
    %select_n3A_489 = arith.select %lt3A_487, %select_n3A_480, %select_n3A_485 : vector<512x128xi1>, vector<512x128xf32>
    %select_n3A_490 = arith.select %lt3A_487, %select_n3A_486, %select_n3A_481 : vector<512x128xi1>, vector<512x128xf32>
    %select_n3A_491 = arith.select %lt3A_487, %select_n3A_481, %select_n3A_486 : vector<512x128xi1>, vector<512x128xf32>
    %lt3A_492 = arith.cmpf olt, %select_n3A_272, %select_n3A_247 : vector<512x128xf32>
    %select_n3A_493 = arith.select %lt3A_492, %select_n3A_272, %select_n3A_247 : vector<512x128xi1>, vector<512x128xf32>
    %select_n3A_494 = arith.select %lt3A_492, %add3A_276, %add3A_251 : vector<512x128xi1>, vector<512x128xf32>
    %select_n3A_495 = arith.select %lt3A_492, %select_n3A_247, %select_n3A_272 : vector<512x128xi1>, vector<512x128xf32>
    %select_n3A_496 = arith.select %lt3A_492, %add3A_251, %add3A_276 : vector<512x128xi1>, vector<512x128xf32>
    %lt3A_497 = arith.cmpf olt, %select_n3A_273, %select_n3A_248 : vector<512x128xf32>
    %select_n3A_498 = arith.select %lt3A_497, %select_n3A_248, %select_n3A_273 : vector<512x128xi1>, vector<512x128xf32>
    %select_n3A_499 = arith.select %lt3A_497, %sub3A_256, %sub3A_281 : vector<512x128xi1>, vector<512x128xf32>
    %select_n3A_500 = arith.select %lt3A_497, %select_n3A_273, %select_n3A_248 : vector<512x128xi1>, vector<512x128xf32>
    %select_n3A_501 = arith.select %lt3A_497, %sub3A_281, %sub3A_256 : vector<512x128xi1>, vector<512x128xf32>
    %lt3A_502 = arith.cmpf olt, %select_n3A_500, %select_n3A_495 : vector<512x128xf32>
    %select_n3A_503 = arith.select %lt3A_502, %select_n3A_500, %select_n3A_495 : vector<512x128xi1>, vector<512x128xf32>
    %select_n3A_504 = arith.select %lt3A_502, %select_n3A_495, %select_n3A_500 : vector<512x128xi1>, vector<512x128xf32>
    %select_n3A_505 = arith.select %lt3A_502, %select_n3A_501, %select_n3A_496 : vector<512x128xi1>, vector<512x128xf32>
    %select_n3A_506 = arith.select %lt3A_502, %select_n3A_496, %select_n3A_501 : vector<512x128xi1>, vector<512x128xf32>
    %lt3A_507 = arith.cmpf olt, %select_n3A_322, %select_n3A_297 : vector<512x128xf32>
    %select_n3A_508 = arith.select %lt3A_507, %select_n3A_322, %select_n3A_297 : vector<512x128xi1>, vector<512x128xf32>
    %select_n3A_509 = arith.select %lt3A_507, %add3A_326, %add3A_301 : vector<512x128xi1>, vector<512x128xf32>
    %select_n3A_510 = arith.select %lt3A_507, %select_n3A_297, %select_n3A_322 : vector<512x128xi1>, vector<512x128xf32>
    %select_n3A_511 = arith.select %lt3A_507, %add3A_301, %add3A_326 : vector<512x128xi1>, vector<512x128xf32>
    %lt3A_512 = arith.cmpf olt, %select_n3A_323, %select_n3A_298 : vector<512x128xf32>
    %select_n3A_513 = arith.select %lt3A_512, %select_n3A_298, %select_n3A_323 : vector<512x128xi1>, vector<512x128xf32>
    %select_n3A_514 = arith.select %lt3A_512, %sub3A_306, %sub3A_331 : vector<512x128xi1>, vector<512x128xf32>
    %select_n3A_515 = arith.select %lt3A_512, %select_n3A_323, %select_n3A_298 : vector<512x128xi1>, vector<512x128xf32>
    %select_n3A_516 = arith.select %lt3A_512, %sub3A_331, %sub3A_306 : vector<512x128xi1>, vector<512x128xf32>
    %lt3A_517 = arith.cmpf olt, %select_n3A_515, %select_n3A_510 : vector<512x128xf32>
    %select_n3A_518 = arith.select %lt3A_517, %select_n3A_515, %select_n3A_510 : vector<512x128xi1>, vector<512x128xf32>
    %select_n3A_519 = arith.select %lt3A_517, %select_n3A_510, %select_n3A_515 : vector<512x128xi1>, vector<512x128xf32>
    %select_n3A_520 = arith.select %lt3A_517, %select_n3A_516, %select_n3A_511 : vector<512x128xi1>, vector<512x128xf32>
    %select_n3A_521 = arith.select %lt3A_517, %select_n3A_511, %select_n3A_516 : vector<512x128xi1>, vector<512x128xf32>
    %lt3A_522 = arith.cmpf olt, %select_n3A_372, %select_n3A_347 : vector<512x128xf32>
    %select_n3A_523 = arith.select %lt3A_522, %select_n3A_372, %select_n3A_347 : vector<512x128xi1>, vector<512x128xf32>
    %select_n3A_524 = arith.select %lt3A_522, %add3A_376, %add3A_351 : vector<512x128xi1>, vector<512x128xf32>
    %select_n3A_525 = arith.select %lt3A_522, %select_n3A_347, %select_n3A_372 : vector<512x128xi1>, vector<512x128xf32>
    %select_n3A_526 = arith.select %lt3A_522, %add3A_351, %add3A_376 : vector<512x128xi1>, vector<512x128xf32>
    %lt3A_527 = arith.cmpf olt, %select_n3A_373, %select_n3A_348 : vector<512x128xf32>
    %select_n3A_528 = arith.select %lt3A_527, %select_n3A_348, %select_n3A_373 : vector<512x128xi1>, vector<512x128xf32>
    %select_n3A_529 = arith.select %lt3A_527, %sub3A_356, %sub3A_381 : vector<512x128xi1>, vector<512x128xf32>
    %select_n3A_530 = arith.select %lt3A_527, %select_n3A_373, %select_n3A_348 : vector<512x128xi1>, vector<512x128xf32>
    %select_n3A_531 = arith.select %lt3A_527, %sub3A_381, %sub3A_356 : vector<512x128xi1>, vector<512x128xf32>
    %lt3A_532 = arith.cmpf olt, %select_n3A_530, %select_n3A_525 : vector<512x128xf32>
    %select_n3A_533 = arith.select %lt3A_532, %select_n3A_530, %select_n3A_525 : vector<512x128xi1>, vector<512x128xf32>
    %select_n3A_534 = arith.select %lt3A_532, %select_n3A_525, %select_n3A_530 : vector<512x128xi1>, vector<512x128xf32>
    %select_n3A_535 = arith.select %lt3A_532, %select_n3A_531, %select_n3A_526 : vector<512x128xi1>, vector<512x128xf32>
    %select_n3A_536 = arith.select %lt3A_532, %select_n3A_526, %select_n3A_531 : vector<512x128xi1>, vector<512x128xf32>
    %lt3A_537 = arith.cmpf olt, %select_n3A_422, %select_n3A_397 : vector<512x128xf32>
    %select_n3A_538 = arith.select %lt3A_537, %select_n3A_422, %select_n3A_397 : vector<512x128xi1>, vector<512x128xf32>
    %select_n3A_539 = arith.select %lt3A_537, %add3A_426, %add3A_401 : vector<512x128xi1>, vector<512x128xf32>
    %select_n3A_540 = arith.select %lt3A_537, %select_n3A_397, %select_n3A_422 : vector<512x128xi1>, vector<512x128xf32>
    %select_n3A_541 = arith.select %lt3A_537, %add3A_401, %add3A_426 : vector<512x128xi1>, vector<512x128xf32>
    %lt3A_542 = arith.cmpf olt, %select_n3A_423, %select_n3A_398 : vector<512x128xf32>
    %select_n3A_543 = arith.select %lt3A_542, %select_n3A_398, %select_n3A_423 : vector<512x128xi1>, vector<512x128xf32>
    %select_n3A_544 = arith.select %lt3A_542, %sub3A_406, %sub3A_431 : vector<512x128xi1>, vector<512x128xf32>
    %select_n3A_545 = arith.select %lt3A_542, %select_n3A_423, %select_n3A_398 : vector<512x128xi1>, vector<512x128xf32>
    %select_n3A_546 = arith.select %lt3A_542, %sub3A_431, %sub3A_406 : vector<512x128xi1>, vector<512x128xf32>
    %lt3A_547 = arith.cmpf olt, %select_n3A_545, %select_n3A_540 : vector<512x128xf32>
    %select_n3A_548 = arith.select %lt3A_547, %select_n3A_545, %select_n3A_540 : vector<512x128xi1>, vector<512x128xf32>
    %select_n3A_549 = arith.select %lt3A_547, %select_n3A_540, %select_n3A_545 : vector<512x128xi1>, vector<512x128xf32>
    %select_n3A_550 = arith.select %lt3A_547, %select_n3A_546, %select_n3A_541 : vector<512x128xi1>, vector<512x128xf32>
    %select_n3A_551 = arith.select %lt3A_547, %select_n3A_541, %select_n3A_546 : vector<512x128xi1>, vector<512x128xf32>
    %lt3A_552 = arith.cmpf olt, %select_n3A_453, %select_n3A_433 : vector<512x128xf32>
    %select_n3A_553 = arith.select %lt3A_552, %select_n3A_453, %select_n3A_433 : vector<512x128xi1>, vector<512x128xf32>
    %select_n3A_554 = arith.select %lt3A_552, %select_n3A_454, %select_n3A_434 : vector<512x128xi1>, vector<512x128xf32>
    %lt3A_555 = arith.cmpf olt, %select_n3A_459, %select_n3A_443 : vector<512x128xf32>
    %select_n3A_556 = arith.select %lt3A_555, %select_n3A_459, %select_n3A_443 : vector<512x128xi1>, vector<512x128xf32>
    %select_n3A_557 = arith.select %lt3A_555, %select_n3A_461, %select_n3A_445 : vector<512x128xi1>, vector<512x128xf32>
    %lt3A_558 = arith.cmpf olt, %select_n3A_458, %select_n3A_444 : vector<512x128xf32>
    %select_n3A_559 = arith.select %lt3A_558, %select_n3A_458, %select_n3A_444 : vector<512x128xi1>, vector<512x128xf32>
    %select_n3A_560 = arith.select %lt3A_558, %select_n3A_460, %select_n3A_446 : vector<512x128xi1>, vector<512x128xf32>
    %lt3A_561 = arith.cmpf olt, %select_n3A_448, %select_n3A_438 : vector<512x128xf32>
    %select_n3A_562 = arith.select %lt3A_561, %select_n3A_448, %select_n3A_438 : vector<512x128xi1>, vector<512x128xf32>
    %select_n3A_563 = arith.select %lt3A_561, %select_n3A_449, %select_n3A_439 : vector<512x128xi1>, vector<512x128xf32>
    %lt3A_564 = arith.cmpf olt, %select_n3A_559, %select_n3A_553 : vector<512x128xf32>
    %select_n3A_565 = arith.select %lt3A_564, %select_n3A_559, %select_n3A_553 : vector<512x128xi1>, vector<512x128xf32>
    %select_n3A_566 = arith.select %lt3A_564, %select_n3A_553, %select_n3A_559 : vector<512x128xi1>, vector<512x128xf32>
    %select_n3A_567 = arith.select %lt3A_564, %select_n3A_560, %select_n3A_554 : vector<512x128xi1>, vector<512x128xf32>
    %select_n3A_568 = arith.select %lt3A_564, %select_n3A_554, %select_n3A_560 : vector<512x128xi1>, vector<512x128xf32>
    %lt3A_569 = arith.cmpf olt, %select_n3A_562, %select_n3A_556 : vector<512x128xf32>
    %select_n3A_570 = arith.select %lt3A_569, %select_n3A_562, %select_n3A_556 : vector<512x128xi1>, vector<512x128xf32>
    %select_n3A_571 = arith.select %lt3A_569, %select_n3A_556, %select_n3A_562 : vector<512x128xi1>, vector<512x128xf32>
    %select_n3A_572 = arith.select %lt3A_569, %select_n3A_563, %select_n3A_557 : vector<512x128xi1>, vector<512x128xf32>
    %select_n3A_573 = arith.select %lt3A_569, %select_n3A_557, %select_n3A_563 : vector<512x128xi1>, vector<512x128xf32>
    %lt3A_574 = arith.cmpf olt, %select_n3A_570, %select_n3A_565 : vector<512x128xf32>
    %select_n3A_575 = arith.select %lt3A_574, %select_n3A_570, %select_n3A_565 : vector<512x128xi1>, vector<512x128xf32>
    %select_n3A_576 = arith.select %lt3A_574, %select_n3A_565, %select_n3A_570 : vector<512x128xi1>, vector<512x128xf32>
    %select_n3A_577 = arith.select %lt3A_574, %select_n3A_572, %select_n3A_567 : vector<512x128xi1>, vector<512x128xf32>
    %select_n3A_578 = arith.select %lt3A_574, %select_n3A_567, %select_n3A_572 : vector<512x128xi1>, vector<512x128xf32>
    %lt3A_579 = arith.cmpf olt, %select_n3A_571, %select_n3A_566 : vector<512x128xf32>
    %select_n3A_580 = arith.select %lt3A_579, %select_n3A_571, %select_n3A_566 : vector<512x128xi1>, vector<512x128xf32>
    %select_n3A_581 = arith.select %lt3A_579, %select_n3A_566, %select_n3A_571 : vector<512x128xi1>, vector<512x128xf32>
    %select_n3A_582 = arith.select %lt3A_579, %select_n3A_573, %select_n3A_568 : vector<512x128xi1>, vector<512x128xf32>
    %select_n3A_583 = arith.select %lt3A_579, %select_n3A_568, %select_n3A_573 : vector<512x128xi1>, vector<512x128xf32>
    %lt3A_584 = arith.cmpf olt, %select_n3A_483, %select_n3A_463 : vector<512x128xf32>
    %select_n3A_585 = arith.select %lt3A_584, %select_n3A_483, %select_n3A_463 : vector<512x128xi1>, vector<512x128xf32>
    %select_n3A_586 = arith.select %lt3A_584, %select_n3A_484, %select_n3A_464 : vector<512x128xi1>, vector<512x128xf32>
    %lt3A_587 = arith.cmpf olt, %select_n3A_489, %select_n3A_473 : vector<512x128xf32>
    %select_n3A_588 = arith.select %lt3A_587, %select_n3A_489, %select_n3A_473 : vector<512x128xi1>, vector<512x128xf32>
    %select_n3A_589 = arith.select %lt3A_587, %select_n3A_491, %select_n3A_475 : vector<512x128xi1>, vector<512x128xf32>
    %lt3A_590 = arith.cmpf olt, %select_n3A_488, %select_n3A_474 : vector<512x128xf32>
    %select_n3A_591 = arith.select %lt3A_590, %select_n3A_488, %select_n3A_474 : vector<512x128xi1>, vector<512x128xf32>
    %select_n3A_592 = arith.select %lt3A_590, %select_n3A_490, %select_n3A_476 : vector<512x128xi1>, vector<512x128xf32>
    %lt3A_593 = arith.cmpf olt, %select_n3A_478, %select_n3A_468 : vector<512x128xf32>
    %select_n3A_594 = arith.select %lt3A_593, %select_n3A_478, %select_n3A_468 : vector<512x128xi1>, vector<512x128xf32>
    %select_n3A_595 = arith.select %lt3A_593, %select_n3A_479, %select_n3A_469 : vector<512x128xi1>, vector<512x128xf32>
    %lt3A_596 = arith.cmpf olt, %select_n3A_591, %select_n3A_585 : vector<512x128xf32>
    %select_n3A_597 = arith.select %lt3A_596, %select_n3A_591, %select_n3A_585 : vector<512x128xi1>, vector<512x128xf32>
    %select_n3A_598 = arith.select %lt3A_596, %select_n3A_585, %select_n3A_591 : vector<512x128xi1>, vector<512x128xf32>
    %select_n3A_599 = arith.select %lt3A_596, %select_n3A_592, %select_n3A_586 : vector<512x128xi1>, vector<512x128xf32>
    %select_n3A_600 = arith.select %lt3A_596, %select_n3A_586, %select_n3A_592 : vector<512x128xi1>, vector<512x128xf32>
    %lt3A_601 = arith.cmpf olt, %select_n3A_594, %select_n3A_588 : vector<512x128xf32>
    %select_n3A_602 = arith.select %lt3A_601, %select_n3A_594, %select_n3A_588 : vector<512x128xi1>, vector<512x128xf32>
    %select_n3A_603 = arith.select %lt3A_601, %select_n3A_588, %select_n3A_594 : vector<512x128xi1>, vector<512x128xf32>
    %select_n3A_604 = arith.select %lt3A_601, %select_n3A_595, %select_n3A_589 : vector<512x128xi1>, vector<512x128xf32>
    %select_n3A_605 = arith.select %lt3A_601, %select_n3A_589, %select_n3A_595 : vector<512x128xi1>, vector<512x128xf32>
    %lt3A_606 = arith.cmpf olt, %select_n3A_602, %select_n3A_597 : vector<512x128xf32>
    %select_n3A_607 = arith.select %lt3A_606, %select_n3A_602, %select_n3A_597 : vector<512x128xi1>, vector<512x128xf32>
    %select_n3A_608 = arith.select %lt3A_606, %select_n3A_597, %select_n3A_602 : vector<512x128xi1>, vector<512x128xf32>
    %select_n3A_609 = arith.select %lt3A_606, %select_n3A_604, %select_n3A_599 : vector<512x128xi1>, vector<512x128xf32>
    %select_n3A_610 = arith.select %lt3A_606, %select_n3A_599, %select_n3A_604 : vector<512x128xi1>, vector<512x128xf32>
    %lt3A_611 = arith.cmpf olt, %select_n3A_603, %select_n3A_598 : vector<512x128xf32>
    %select_n3A_612 = arith.select %lt3A_611, %select_n3A_603, %select_n3A_598 : vector<512x128xi1>, vector<512x128xf32>
    %select_n3A_613 = arith.select %lt3A_611, %select_n3A_598, %select_n3A_603 : vector<512x128xi1>, vector<512x128xf32>
    %select_n3A_614 = arith.select %lt3A_611, %select_n3A_605, %select_n3A_600 : vector<512x128xi1>, vector<512x128xf32>
    %select_n3A_615 = arith.select %lt3A_611, %select_n3A_600, %select_n3A_605 : vector<512x128xi1>, vector<512x128xf32>
    %lt3A_616 = arith.cmpf olt, %select_n3A_513, %select_n3A_493 : vector<512x128xf32>
    %select_n3A_617 = arith.select %lt3A_616, %select_n3A_513, %select_n3A_493 : vector<512x128xi1>, vector<512x128xf32>
    %select_n3A_618 = arith.select %lt3A_616, %select_n3A_514, %select_n3A_494 : vector<512x128xi1>, vector<512x128xf32>
    %lt3A_619 = arith.cmpf olt, %select_n3A_519, %select_n3A_503 : vector<512x128xf32>
    %select_n3A_620 = arith.select %lt3A_619, %select_n3A_519, %select_n3A_503 : vector<512x128xi1>, vector<512x128xf32>
    %select_n3A_621 = arith.select %lt3A_619, %select_n3A_521, %select_n3A_505 : vector<512x128xi1>, vector<512x128xf32>
    %lt3A_622 = arith.cmpf olt, %select_n3A_518, %select_n3A_504 : vector<512x128xf32>
    %select_n3A_623 = arith.select %lt3A_622, %select_n3A_518, %select_n3A_504 : vector<512x128xi1>, vector<512x128xf32>
    %select_n3A_624 = arith.select %lt3A_622, %select_n3A_520, %select_n3A_506 : vector<512x128xi1>, vector<512x128xf32>
    %lt3A_625 = arith.cmpf olt, %select_n3A_508, %select_n3A_498 : vector<512x128xf32>
    %select_n3A_626 = arith.select %lt3A_625, %select_n3A_508, %select_n3A_498 : vector<512x128xi1>, vector<512x128xf32>
    %select_n3A_627 = arith.select %lt3A_625, %select_n3A_509, %select_n3A_499 : vector<512x128xi1>, vector<512x128xf32>
    %lt3A_628 = arith.cmpf olt, %select_n3A_623, %select_n3A_617 : vector<512x128xf32>
    %select_n3A_629 = arith.select %lt3A_628, %select_n3A_623, %select_n3A_617 : vector<512x128xi1>, vector<512x128xf32>
    %select_n3A_630 = arith.select %lt3A_628, %select_n3A_617, %select_n3A_623 : vector<512x128xi1>, vector<512x128xf32>
    %select_n3A_631 = arith.select %lt3A_628, %select_n3A_624, %select_n3A_618 : vector<512x128xi1>, vector<512x128xf32>
    %select_n3A_632 = arith.select %lt3A_628, %select_n3A_618, %select_n3A_624 : vector<512x128xi1>, vector<512x128xf32>
    %lt3A_633 = arith.cmpf olt, %select_n3A_626, %select_n3A_620 : vector<512x128xf32>
    %select_n3A_634 = arith.select %lt3A_633, %select_n3A_626, %select_n3A_620 : vector<512x128xi1>, vector<512x128xf32>
    %select_n3A_635 = arith.select %lt3A_633, %select_n3A_620, %select_n3A_626 : vector<512x128xi1>, vector<512x128xf32>
    %select_n3A_636 = arith.select %lt3A_633, %select_n3A_627, %select_n3A_621 : vector<512x128xi1>, vector<512x128xf32>
    %select_n3A_637 = arith.select %lt3A_633, %select_n3A_621, %select_n3A_627 : vector<512x128xi1>, vector<512x128xf32>
    %lt3A_638 = arith.cmpf olt, %select_n3A_634, %select_n3A_629 : vector<512x128xf32>
    %select_n3A_639 = arith.select %lt3A_638, %select_n3A_634, %select_n3A_629 : vector<512x128xi1>, vector<512x128xf32>
    %select_n3A_640 = arith.select %lt3A_638, %select_n3A_629, %select_n3A_634 : vector<512x128xi1>, vector<512x128xf32>
    %select_n3A_641 = arith.select %lt3A_638, %select_n3A_636, %select_n3A_631 : vector<512x128xi1>, vector<512x128xf32>
    %select_n3A_642 = arith.select %lt3A_638, %select_n3A_631, %select_n3A_636 : vector<512x128xi1>, vector<512x128xf32>
    %lt3A_643 = arith.cmpf olt, %select_n3A_635, %select_n3A_630 : vector<512x128xf32>
    %select_n3A_644 = arith.select %lt3A_643, %select_n3A_635, %select_n3A_630 : vector<512x128xi1>, vector<512x128xf32>
    %select_n3A_645 = arith.select %lt3A_643, %select_n3A_630, %select_n3A_635 : vector<512x128xi1>, vector<512x128xf32>
    %select_n3A_646 = arith.select %lt3A_643, %select_n3A_637, %select_n3A_632 : vector<512x128xi1>, vector<512x128xf32>
    %select_n3A_647 = arith.select %lt3A_643, %select_n3A_632, %select_n3A_637 : vector<512x128xi1>, vector<512x128xf32>
    %lt3A_648 = arith.cmpf olt, %select_n3A_543, %select_n3A_523 : vector<512x128xf32>
    %select_n3A_649 = arith.select %lt3A_648, %select_n3A_543, %select_n3A_523 : vector<512x128xi1>, vector<512x128xf32>
    %select_n3A_650 = arith.select %lt3A_648, %select_n3A_544, %select_n3A_524 : vector<512x128xi1>, vector<512x128xf32>
    %lt3A_651 = arith.cmpf olt, %select_n3A_549, %select_n3A_533 : vector<512x128xf32>
    %select_n3A_652 = arith.select %lt3A_651, %select_n3A_549, %select_n3A_533 : vector<512x128xi1>, vector<512x128xf32>
    %select_n3A_653 = arith.select %lt3A_651, %select_n3A_551, %select_n3A_535 : vector<512x128xi1>, vector<512x128xf32>
    %lt3A_654 = arith.cmpf olt, %select_n3A_548, %select_n3A_534 : vector<512x128xf32>
    %select_n3A_655 = arith.select %lt3A_654, %select_n3A_548, %select_n3A_534 : vector<512x128xi1>, vector<512x128xf32>
    %select_n3A_656 = arith.select %lt3A_654, %select_n3A_550, %select_n3A_536 : vector<512x128xi1>, vector<512x128xf32>
    %lt3A_657 = arith.cmpf olt, %select_n3A_538, %select_n3A_528 : vector<512x128xf32>
    %select_n3A_658 = arith.select %lt3A_657, %select_n3A_538, %select_n3A_528 : vector<512x128xi1>, vector<512x128xf32>
    %select_n3A_659 = arith.select %lt3A_657, %select_n3A_539, %select_n3A_529 : vector<512x128xi1>, vector<512x128xf32>
    %lt3A_660 = arith.cmpf olt, %select_n3A_655, %select_n3A_649 : vector<512x128xf32>
    %select_n3A_661 = arith.select %lt3A_660, %select_n3A_655, %select_n3A_649 : vector<512x128xi1>, vector<512x128xf32>
    %select_n3A_662 = arith.select %lt3A_660, %select_n3A_649, %select_n3A_655 : vector<512x128xi1>, vector<512x128xf32>
    %select_n3A_663 = arith.select %lt3A_660, %select_n3A_656, %select_n3A_650 : vector<512x128xi1>, vector<512x128xf32>
    %select_n3A_664 = arith.select %lt3A_660, %select_n3A_650, %select_n3A_656 : vector<512x128xi1>, vector<512x128xf32>
    %lt3A_665 = arith.cmpf olt, %select_n3A_658, %select_n3A_652 : vector<512x128xf32>
    %select_n3A_666 = arith.select %lt3A_665, %select_n3A_658, %select_n3A_652 : vector<512x128xi1>, vector<512x128xf32>
    %select_n3A_667 = arith.select %lt3A_665, %select_n3A_652, %select_n3A_658 : vector<512x128xi1>, vector<512x128xf32>
    %select_n3A_668 = arith.select %lt3A_665, %select_n3A_659, %select_n3A_653 : vector<512x128xi1>, vector<512x128xf32>
    %select_n3A_669 = arith.select %lt3A_665, %select_n3A_653, %select_n3A_659 : vector<512x128xi1>, vector<512x128xf32>
    %lt3A_670 = arith.cmpf olt, %select_n3A_666, %select_n3A_661 : vector<512x128xf32>
    %select_n3A_671 = arith.select %lt3A_670, %select_n3A_666, %select_n3A_661 : vector<512x128xi1>, vector<512x128xf32>
    %select_n3A_672 = arith.select %lt3A_670, %select_n3A_661, %select_n3A_666 : vector<512x128xi1>, vector<512x128xf32>
    %select_n3A_673 = arith.select %lt3A_670, %select_n3A_668, %select_n3A_663 : vector<512x128xi1>, vector<512x128xf32>
    %select_n3A_674 = arith.select %lt3A_670, %select_n3A_663, %select_n3A_668 : vector<512x128xi1>, vector<512x128xf32>
    %lt3A_675 = arith.cmpf olt, %select_n3A_667, %select_n3A_662 : vector<512x128xf32>
    %select_n3A_676 = arith.select %lt3A_675, %select_n3A_667, %select_n3A_662 : vector<512x128xi1>, vector<512x128xf32>
    %select_n3A_677 = arith.select %lt3A_675, %select_n3A_662, %select_n3A_667 : vector<512x128xi1>, vector<512x128xf32>
    %select_n3A_678 = arith.select %lt3A_675, %select_n3A_669, %select_n3A_664 : vector<512x128xi1>, vector<512x128xf32>
    %select_n3A_679 = arith.select %lt3A_675, %select_n3A_664, %select_n3A_669 : vector<512x128xi1>, vector<512x128xf32>
    %lt3A_680 = arith.cmpf olt, %select_n3A_613, %select_n3A_575 : vector<512x128xf32>
    %select_n3A_681 = arith.select %lt3A_680, %select_n3A_613, %select_n3A_575 : vector<512x128xi1>, vector<512x128xf32>
    %select_n3A_682 = arith.select %lt3A_680, %select_n3A_615, %select_n3A_577 : vector<512x128xi1>, vector<512x128xf32>
    %lt3A_683 = arith.cmpf olt, %select_n3A_612, %select_n3A_576 : vector<512x128xf32>
    %select_n3A_684 = arith.select %lt3A_683, %select_n3A_612, %select_n3A_576 : vector<512x128xi1>, vector<512x128xf32>
    %select_n3A_685 = arith.select %lt3A_683, %select_n3A_614, %select_n3A_578 : vector<512x128xi1>, vector<512x128xf32>
    %lt3A_686 = arith.cmpf olt, %select_n3A_608, %select_n3A_580 : vector<512x128xf32>
    %select_n3A_687 = arith.select %lt3A_686, %select_n3A_608, %select_n3A_580 : vector<512x128xi1>, vector<512x128xf32>
    %select_n3A_688 = arith.select %lt3A_686, %select_n3A_610, %select_n3A_582 : vector<512x128xi1>, vector<512x128xf32>
    %lt3A_689 = arith.cmpf olt, %select_n3A_607, %select_n3A_581 : vector<512x128xf32>
    %select_n3A_690 = arith.select %lt3A_689, %select_n3A_607, %select_n3A_581 : vector<512x128xi1>, vector<512x128xf32>
    %select_n3A_691 = arith.select %lt3A_689, %select_n3A_609, %select_n3A_583 : vector<512x128xi1>, vector<512x128xf32>
    %lt3A_692 = arith.cmpf olt, %select_n3A_687, %select_n3A_681 : vector<512x128xf32>
    %select_n3A_693 = arith.select %lt3A_692, %select_n3A_687, %select_n3A_681 : vector<512x128xi1>, vector<512x128xf32>
    %select_n3A_694 = arith.select %lt3A_692, %select_n3A_681, %select_n3A_687 : vector<512x128xi1>, vector<512x128xf32>
    %select_n3A_695 = arith.select %lt3A_692, %select_n3A_688, %select_n3A_682 : vector<512x128xi1>, vector<512x128xf32>
    %select_n3A_696 = arith.select %lt3A_692, %select_n3A_682, %select_n3A_688 : vector<512x128xi1>, vector<512x128xf32>
    %lt3A_697 = arith.cmpf olt, %select_n3A_690, %select_n3A_684 : vector<512x128xf32>
    %select_n3A_698 = arith.select %lt3A_697, %select_n3A_690, %select_n3A_684 : vector<512x128xi1>, vector<512x128xf32>
    %select_n3A_699 = arith.select %lt3A_697, %select_n3A_684, %select_n3A_690 : vector<512x128xi1>, vector<512x128xf32>
    %select_n3A_700 = arith.select %lt3A_697, %select_n3A_691, %select_n3A_685 : vector<512x128xi1>, vector<512x128xf32>
    %select_n3A_701 = arith.select %lt3A_697, %select_n3A_685, %select_n3A_691 : vector<512x128xi1>, vector<512x128xf32>
    %lt3A_702 = arith.cmpf olt, %select_n3A_698, %select_n3A_693 : vector<512x128xf32>
    %select_n3A_703 = arith.select %lt3A_702, %select_n3A_698, %select_n3A_693 : vector<512x128xi1>, vector<512x128xf32>
    %select_n3A_704 = arith.select %lt3A_702, %select_n3A_693, %select_n3A_698 : vector<512x128xi1>, vector<512x128xf32>
    %select_n3A_705 = arith.select %lt3A_702, %select_n3A_700, %select_n3A_695 : vector<512x128xi1>, vector<512x128xf32>
    %select_n3A_706 = arith.select %lt3A_702, %select_n3A_695, %select_n3A_700 : vector<512x128xi1>, vector<512x128xf32>
    %lt3A_707 = arith.cmpf olt, %select_n3A_699, %select_n3A_694 : vector<512x128xf32>
    %select_n3A_708 = arith.select %lt3A_707, %select_n3A_699, %select_n3A_694 : vector<512x128xi1>, vector<512x128xf32>
    %select_n3A_709 = arith.select %lt3A_707, %select_n3A_694, %select_n3A_699 : vector<512x128xi1>, vector<512x128xf32>
    %select_n3A_710 = arith.select %lt3A_707, %select_n3A_701, %select_n3A_696 : vector<512x128xi1>, vector<512x128xf32>
    %select_n3A_711 = arith.select %lt3A_707, %select_n3A_696, %select_n3A_701 : vector<512x128xi1>, vector<512x128xf32>
    %lt3A_712 = arith.cmpf olt, %select_n3A_677, %select_n3A_639 : vector<512x128xf32>
    %select_n3A_713 = arith.select %lt3A_712, %select_n3A_677, %select_n3A_639 : vector<512x128xi1>, vector<512x128xf32>
    %select_n3A_714 = arith.select %lt3A_712, %select_n3A_679, %select_n3A_641 : vector<512x128xi1>, vector<512x128xf32>
    %lt3A_715 = arith.cmpf olt, %select_n3A_676, %select_n3A_640 : vector<512x128xf32>
    %select_n3A_716 = arith.select %lt3A_715, %select_n3A_676, %select_n3A_640 : vector<512x128xi1>, vector<512x128xf32>
    %select_n3A_717 = arith.select %lt3A_715, %select_n3A_678, %select_n3A_642 : vector<512x128xi1>, vector<512x128xf32>
    %lt3A_718 = arith.cmpf olt, %select_n3A_672, %select_n3A_644 : vector<512x128xf32>
    %select_n3A_719 = arith.select %lt3A_718, %select_n3A_672, %select_n3A_644 : vector<512x128xi1>, vector<512x128xf32>
    %select_n3A_720 = arith.select %lt3A_718, %select_n3A_674, %select_n3A_646 : vector<512x128xi1>, vector<512x128xf32>
    %lt3A_721 = arith.cmpf olt, %select_n3A_671, %select_n3A_645 : vector<512x128xf32>
    %select_n3A_722 = arith.select %lt3A_721, %select_n3A_671, %select_n3A_645 : vector<512x128xi1>, vector<512x128xf32>
    %select_n3A_723 = arith.select %lt3A_721, %select_n3A_673, %select_n3A_647 : vector<512x128xi1>, vector<512x128xf32>
    %lt3A_724 = arith.cmpf olt, %select_n3A_719, %select_n3A_713 : vector<512x128xf32>
    %select_n3A_725 = arith.select %lt3A_724, %select_n3A_719, %select_n3A_713 : vector<512x128xi1>, vector<512x128xf32>
    %select_n3A_726 = arith.select %lt3A_724, %select_n3A_713, %select_n3A_719 : vector<512x128xi1>, vector<512x128xf32>
    %select_n3A_727 = arith.select %lt3A_724, %select_n3A_720, %select_n3A_714 : vector<512x128xi1>, vector<512x128xf32>
    %select_n3A_728 = arith.select %lt3A_724, %select_n3A_714, %select_n3A_720 : vector<512x128xi1>, vector<512x128xf32>
    %lt3A_729 = arith.cmpf olt, %select_n3A_722, %select_n3A_716 : vector<512x128xf32>
    %select_n3A_730 = arith.select %lt3A_729, %select_n3A_722, %select_n3A_716 : vector<512x128xi1>, vector<512x128xf32>
    %select_n3A_731 = arith.select %lt3A_729, %select_n3A_716, %select_n3A_722 : vector<512x128xi1>, vector<512x128xf32>
    %select_n3A_732 = arith.select %lt3A_729, %select_n3A_723, %select_n3A_717 : vector<512x128xi1>, vector<512x128xf32>
    %select_n3A_733 = arith.select %lt3A_729, %select_n3A_717, %select_n3A_723 : vector<512x128xi1>, vector<512x128xf32>
    %lt3A_734 = arith.cmpf olt, %select_n3A_730, %select_n3A_725 : vector<512x128xf32>
    %select_n3A_735 = arith.select %lt3A_734, %select_n3A_730, %select_n3A_725 : vector<512x128xi1>, vector<512x128xf32>
    %select_n3A_736 = arith.select %lt3A_734, %select_n3A_725, %select_n3A_730 : vector<512x128xi1>, vector<512x128xf32>
    %select_n3A_737 = arith.select %lt3A_734, %select_n3A_732, %select_n3A_727 : vector<512x128xi1>, vector<512x128xf32>
    %select_n3A_738 = arith.select %lt3A_734, %select_n3A_727, %select_n3A_732 : vector<512x128xi1>, vector<512x128xf32>
    %lt3A_739 = arith.cmpf olt, %select_n3A_731, %select_n3A_726 : vector<512x128xf32>
    %select_n3A_740 = arith.select %lt3A_739, %select_n3A_731, %select_n3A_726 : vector<512x128xi1>, vector<512x128xf32>
    %select_n3A_741 = arith.select %lt3A_739, %select_n3A_726, %select_n3A_731 : vector<512x128xi1>, vector<512x128xf32>
    %select_n3A_742 = arith.select %lt3A_739, %select_n3A_733, %select_n3A_728 : vector<512x128xi1>, vector<512x128xf32>
    %select_n3A_743 = arith.select %lt3A_739, %select_n3A_728, %select_n3A_733 : vector<512x128xi1>, vector<512x128xf32>
    %lt3A_744 = arith.cmpf olt, %select_n3A_741, %select_n3A_703 : vector<512x128xf32>
    %select_n3A_745 = arith.select %lt3A_744, %select_n3A_741, %select_n3A_703 : vector<512x128xi1>, vector<512x128xf32>
    %select_n3A_746 = arith.select %lt3A_744, %select_n3A_743, %select_n3A_705 : vector<512x128xi1>, vector<512x128xf32>
    %lt3A_747 = arith.cmpf olt, %select_n3A_740, %select_n3A_704 : vector<512x128xf32>
    %select_n3A_748 = arith.select %lt3A_747, %select_n3A_740, %select_n3A_704 : vector<512x128xi1>, vector<512x128xf32>
    %select_n3A_749 = arith.select %lt3A_747, %select_n3A_742, %select_n3A_706 : vector<512x128xi1>, vector<512x128xf32>
    %lt3A_750 = arith.cmpf olt, %select_n3A_736, %select_n3A_708 : vector<512x128xf32>
    %select_n3A_751 = arith.select %lt3A_750, %select_n3A_736, %select_n3A_708 : vector<512x128xi1>, vector<512x128xf32>
    %select_n3A_752 = arith.select %lt3A_750, %select_n3A_738, %select_n3A_710 : vector<512x128xi1>, vector<512x128xf32>
    %lt3A_753 = arith.cmpf olt, %select_n3A_735, %select_n3A_709 : vector<512x128xf32>
    %select_n3A_754 = arith.select %lt3A_753, %select_n3A_735, %select_n3A_709 : vector<512x128xi1>, vector<512x128xf32>
    %select_n3A_755 = arith.select %lt3A_753, %select_n3A_737, %select_n3A_711 : vector<512x128xi1>, vector<512x128xf32>
    %lt3A_756 = arith.cmpf olt, %select_n3A_751, %select_n3A_745 : vector<512x128xf32>
    %select_n3A_757 = arith.select %lt3A_756, %select_n3A_751, %select_n3A_745 : vector<512x128xi1>, vector<512x128xf32>
    %select_n3A_758 = arith.select %lt3A_756, %select_n3A_745, %select_n3A_751 : vector<512x128xi1>, vector<512x128xf32>
    %select_n3A_759 = arith.select %lt3A_756, %select_n3A_752, %select_n3A_746 : vector<512x128xi1>, vector<512x128xf32>
    %select_n3A_760 = arith.select %lt3A_756, %select_n3A_746, %select_n3A_752 : vector<512x128xi1>, vector<512x128xf32>
    %lt3A_761 = arith.cmpf olt, %select_n3A_754, %select_n3A_748 : vector<512x128xf32>
    %select_n3A_762 = arith.select %lt3A_761, %select_n3A_754, %select_n3A_748 : vector<512x128xi1>, vector<512x128xf32>
    %select_n3A_763 = arith.select %lt3A_761, %select_n3A_748, %select_n3A_754 : vector<512x128xi1>, vector<512x128xf32>
    %select_n3A_764 = arith.select %lt3A_761, %select_n3A_755, %select_n3A_749 : vector<512x128xi1>, vector<512x128xf32>
    %select_n3A_765 = arith.select %lt3A_761, %select_n3A_749, %select_n3A_755 : vector<512x128xi1>, vector<512x128xf32>
    %lt3A_766 = arith.cmpf olt, %select_n3A_762, %select_n3A_757 : vector<512x128xf32>
    %select_n3A_767 = arith.select %lt3A_766, %select_n3A_762, %select_n3A_757 : vector<512x128xi1>, vector<512x128xf32>
    %select_n3A_768 = arith.select %lt3A_766, %select_n3A_757, %select_n3A_762 : vector<512x128xi1>, vector<512x128xf32>
    %select_n3A_769 = arith.select %lt3A_766, %select_n3A_764, %select_n3A_759 : vector<512x128xi1>, vector<512x128xf32>
    %select_n3A_770 = arith.select %lt3A_766, %select_n3A_759, %select_n3A_764 : vector<512x128xi1>, vector<512x128xf32>
    %lt3A_771 = arith.cmpf olt, %select_n3A_763, %select_n3A_758 : vector<512x128xf32>
    %select_n3A_772 = arith.select %lt3A_771, %select_n3A_763, %select_n3A_758 : vector<512x128xi1>, vector<512x128xf32>
    %select_n3A_773 = arith.select %lt3A_771, %select_n3A_758, %select_n3A_763 : vector<512x128xi1>, vector<512x128xf32>
    %select_n3A_774 = arith.select %lt3A_771, %select_n3A_765, %select_n3A_760 : vector<512x128xi1>, vector<512x128xf32>
    %select_n3A_775 = arith.select %lt3A_771, %select_n3A_760, %select_n3A_765 : vector<512x128xi1>, vector<512x128xf32>
    %iota3A = tpu.iota {dimensions = array<i32: 1>} : vector<512x128xi32>
    %convert_element_type3A_776 = arith.sitofp %iota3A : vector<512x128xi32> to vector<512x128xf32>
    %mul3A_777 = arith.constant 1.280000e+02 : f32
    %mul3A_778 = vector.broadcast %mul3A_777 : f32 to vector<512x128xf32>
    %mul3A_779 = arith.mulf %select_n3A_769, %mul3A_778 : vector<512x128xf32>
    %add3A_780 = arith.addf %mul3A_779, %convert_element_type3A_776 : vector<512x128xf32>
    %mul3A_781 = arith.constant 1.280000e+02 : f32
    %mul3A_782 = vector.broadcast %mul3A_781 : f32 to vector<512x128xf32>
    %mul3A_783 = arith.mulf %select_n3A_770, %mul3A_782 : vector<512x128xf32>
    %add3A_784 = arith.addf %mul3A_783, %convert_element_type3A_776 : vector<512x128xf32>
    %mul3A_785 = arith.constant 1.280000e+02 : f32
    %mul3A_786 = vector.broadcast %mul3A_785 : f32 to vector<512x128xf32>
    %mul3A_787 = arith.mulf %select_n3A_774, %mul3A_786 : vector<512x128xf32>
    %add3A_788 = arith.addf %mul3A_787, %convert_element_type3A_776 : vector<512x128xf32>
    %mul3A_789 = arith.constant 1.280000e+02 : f32
    %mul3A_790 = vector.broadcast %mul3A_789 : f32 to vector<512x128xf32>
    %mul3A_791 = arith.mulf %select_n3A_775, %mul3A_790 : vector<512x128xf32>
    %add3A_792 = arith.addf %mul3A_791, %convert_element_type3A_776 : vector<512x128xf32>
    %reduce_min3A = arith.constant dense<0x7F800000> : vector<512xf32>
    %reduce_min3A_793 = vector.multi_reduction <minimumf>, %select_n3A_767, %reduce_min3A [1] : vector<512x128xf32> to vector<512xf32>
    %broadcast_in_dim3A_794 = vector.shape_cast %reduce_min3A_793 : vector<512xf32> to vector<512x1xf32>
    %eq3A = vector.broadcast %broadcast_in_dim3A_794 : vector<512x1xf32> to vector<512x128xf32>
    %eq3A_795 = arith.cmpf oeq, %select_n3A_767, %eq3A : vector<512x128xf32>
    %jit3A = arith.constant 0x4B800000 : f32
    %broadcast_in_dim3A_796 = vector.broadcast %jit3A : f32 to vector<512x128xf32>
    %select_n3A_797 = arith.select %eq3A_795, %add3A_780, %broadcast_in_dim3A_796 : vector<512x128xi1>, vector<512x128xf32>
    %reduce_min3A_798 = arith.constant dense<0x7F800000> : vector<512xf32>
    %reduce_min3A_799 = vector.multi_reduction <minimumf>, %select_n3A_797, %reduce_min3A_798 [1] : vector<512x128xf32> to vector<512xf32>
    %select_n3A_800 = arith.select %eq3A_795, %select_n3A_768, %select_n3A_767 : vector<512x128xi1>, vector<512x128xf32>
    %select_n3A_801 = arith.select %eq3A_795, %add3A_784, %add3A_780 : vector<512x128xi1>, vector<512x128xf32>
    %select_n3A_802 = arith.select %eq3A_795, %select_n3A_772, %select_n3A_768 : vector<512x128xi1>, vector<512x128xf32>
    %select_n3A_803 = arith.select %eq3A_795, %add3A_788, %add3A_784 : vector<512x128xi1>, vector<512x128xf32>
    %select_n3A_804 = arith.select %eq3A_795, %select_n3A_773, %select_n3A_772 : vector<512x128xi1>, vector<512x128xf32>
    %select_n3A_805 = arith.select %eq3A_795, %add3A_792, %add3A_788 : vector<512x128xi1>, vector<512x128xf32>
    %jit3A_806 = arith.constant 0x7F800000 : f32
    %broadcast_in_dim3A_807 = vector.broadcast %jit3A_806 : f32 to vector<512x128xf32>
    %select_n3A_808 = arith.select %eq3A_795, %broadcast_in_dim3A_807, %select_n3A_773 : vector<512x128xi1>, vector<512x128xf32>
    %reduce_min3A_809 = arith.constant dense<0x7F800000> : vector<512xf32>
    %reduce_min3A_810 = vector.multi_reduction <minimumf>, %select_n3A_800, %reduce_min3A_809 [1] : vector<512x128xf32> to vector<512xf32>
    %broadcast_in_dim3A_811 = vector.shape_cast %reduce_min3A_810 : vector<512xf32> to vector<512x1xf32>
    %eq3A_812 = vector.broadcast %broadcast_in_dim3A_811 : vector<512x1xf32> to vector<512x128xf32>
    %eq3A_813 = arith.cmpf oeq, %select_n3A_800, %eq3A_812 : vector<512x128xf32>
    %jit3A_814 = arith.constant 0x4B800000 : f32
    %broadcast_in_dim3A_815 = vector.broadcast %jit3A_814 : f32 to vector<512x128xf32>
    %select_n3A_816 = arith.select %eq3A_813, %select_n3A_801, %broadcast_in_dim3A_815 : vector<512x128xi1>, vector<512x128xf32>
    %reduce_min3A_817 = arith.constant dense<0x7F800000> : vector<512xf32>
    %reduce_min3A_818 = vector.multi_reduction <minimumf>, %select_n3A_816, %reduce_min3A_817 [1] : vector<512x128xf32> to vector<512xf32>
    %select_n3A_819 = arith.select %eq3A_813, %select_n3A_802, %select_n3A_800 : vector<512x128xi1>, vector<512x128xf32>
    %select_n3A_820 = arith.select %eq3A_813, %select_n3A_803, %select_n3A_801 : vector<512x128xi1>, vector<512x128xf32>
    %select_n3A_821 = arith.select %eq3A_813, %select_n3A_804, %select_n3A_802 : vector<512x128xi1>, vector<512x128xf32>
    %select_n3A_822 = arith.select %eq3A_813, %select_n3A_805, %select_n3A_803 : vector<512x128xi1>, vector<512x128xf32>
    %select_n3A_823 = arith.select %eq3A_813, %select_n3A_808, %select_n3A_804 : vector<512x128xi1>, vector<512x128xf32>
    %select_n3A_824 = arith.select %eq3A_813, %add3A_792, %select_n3A_805 : vector<512x128xi1>, vector<512x128xf32>
    %jit3A_825 = arith.constant 0x7F800000 : f32
    %broadcast_in_dim3A_826 = vector.broadcast %jit3A_825 : f32 to vector<512x128xf32>
    %select_n3A_827 = arith.select %eq3A_813, %broadcast_in_dim3A_826, %select_n3A_808 : vector<512x128xi1>, vector<512x128xf32>
    %reduce_min3A_828 = arith.constant dense<0x7F800000> : vector<512xf32>
    %reduce_min3A_829 = vector.multi_reduction <minimumf>, %select_n3A_819, %reduce_min3A_828 [1] : vector<512x128xf32> to vector<512xf32>
    %broadcast_in_dim3A_830 = vector.shape_cast %reduce_min3A_829 : vector<512xf32> to vector<512x1xf32>
    %eq3A_831 = vector.broadcast %broadcast_in_dim3A_830 : vector<512x1xf32> to vector<512x128xf32>
    %eq3A_832 = arith.cmpf oeq, %select_n3A_819, %eq3A_831 : vector<512x128xf32>
    %jit3A_833 = arith.constant 0x4B800000 : f32
    %broadcast_in_dim3A_834 = vector.broadcast %jit3A_833 : f32 to vector<512x128xf32>
    %select_n3A_835 = arith.select %eq3A_832, %select_n3A_820, %broadcast_in_dim3A_834 : vector<512x128xi1>, vector<512x128xf32>
    %reduce_min3A_836 = arith.constant dense<0x7F800000> : vector<512xf32>
    %reduce_min3A_837 = vector.multi_reduction <minimumf>, %select_n3A_835, %reduce_min3A_836 [1] : vector<512x128xf32> to vector<512xf32>
    %select_n3A_838 = arith.select %eq3A_832, %select_n3A_821, %select_n3A_819 : vector<512x128xi1>, vector<512x128xf32>
    %select_n3A_839 = arith.select %eq3A_832, %select_n3A_822, %select_n3A_820 : vector<512x128xi1>, vector<512x128xf32>
    %select_n3A_840 = arith.select %eq3A_832, %select_n3A_823, %select_n3A_821 : vector<512x128xi1>, vector<512x128xf32>
    %select_n3A_841 = arith.select %eq3A_832, %select_n3A_824, %select_n3A_822 : vector<512x128xi1>, vector<512x128xf32>
    %select_n3A_842 = arith.select %eq3A_832, %select_n3A_827, %select_n3A_823 : vector<512x128xi1>, vector<512x128xf32>
    %select_n3A_843 = arith.select %eq3A_832, %add3A_792, %select_n3A_824 : vector<512x128xi1>, vector<512x128xf32>
    %jit3A_844 = arith.constant 0x7F800000 : f32
    %broadcast_in_dim3A_845 = vector.broadcast %jit3A_844 : f32 to vector<512x128xf32>
    %select_n3A_846 = arith.select %eq3A_832, %broadcast_in_dim3A_845, %select_n3A_827 : vector<512x128xi1>, vector<512x128xf32>
    %reduce_min3A_847 = arith.constant dense<0x7F800000> : vector<512xf32>
    %reduce_min3A_848 = vector.multi_reduction <minimumf>, %select_n3A_838, %reduce_min3A_847 [1] : vector<512x128xf32> to vector<512xf32>
    %broadcast_in_dim3A_849 = vector.shape_cast %reduce_min3A_848 : vector<512xf32> to vector<512x1xf32>
    %eq3A_850 = vector.broadcast %broadcast_in_dim3A_849 : vector<512x1xf32> to vector<512x128xf32>
    %eq3A_851 = arith.cmpf oeq, %select_n3A_838, %eq3A_850 : vector<512x128xf32>
    %jit3A_852 = arith.constant 0x4B800000 : f32
    %broadcast_in_dim3A_853 = vector.broadcast %jit3A_852 : f32 to vector<512x128xf32>
    %select_n3A_854 = arith.select %eq3A_851, %select_n3A_839, %broadcast_in_dim3A_853 : vector<512x128xi1>, vector<512x128xf32>
    %reduce_min3A_855 = arith.constant dense<0x7F800000> : vector<512xf32>
    %reduce_min3A_856 = vector.multi_reduction <minimumf>, %select_n3A_854, %reduce_min3A_855 [1] : vector<512x128xf32> to vector<512xf32>
    %select_n3A_857 = arith.select %eq3A_851, %select_n3A_840, %select_n3A_838 : vector<512x128xi1>, vector<512x128xf32>
    %select_n3A_858 = arith.select %eq3A_851, %select_n3A_841, %select_n3A_839 : vector<512x128xi1>, vector<512x128xf32>
    %select_n3A_859 = arith.select %eq3A_851, %select_n3A_842, %select_n3A_840 : vector<512x128xi1>, vector<512x128xf32>
    %select_n3A_860 = arith.select %eq3A_851, %select_n3A_843, %select_n3A_841 : vector<512x128xi1>, vector<512x128xf32>
    %select_n3A_861 = arith.select %eq3A_851, %select_n3A_846, %select_n3A_842 : vector<512x128xi1>, vector<512x128xf32>
    %select_n3A_862 = arith.select %eq3A_851, %add3A_792, %select_n3A_843 : vector<512x128xi1>, vector<512x128xf32>
    %jit3A_863 = arith.constant 0x7F800000 : f32
    %broadcast_in_dim3A_864 = vector.broadcast %jit3A_863 : f32 to vector<512x128xf32>
    %select_n3A_865 = arith.select %eq3A_851, %broadcast_in_dim3A_864, %select_n3A_846 : vector<512x128xi1>, vector<512x128xf32>
    %reduce_min3A_866 = arith.constant dense<0x7F800000> : vector<512xf32>
    %reduce_min3A_867 = vector.multi_reduction <minimumf>, %select_n3A_857, %reduce_min3A_866 [1] : vector<512x128xf32> to vector<512xf32>
    %broadcast_in_dim3A_868 = vector.shape_cast %reduce_min3A_867 : vector<512xf32> to vector<512x1xf32>
    %eq3A_869 = vector.broadcast %broadcast_in_dim3A_868 : vector<512x1xf32> to vector<512x128xf32>
    %eq3A_870 = arith.cmpf oeq, %select_n3A_857, %eq3A_869 : vector<512x128xf32>
    %jit3A_871 = arith.constant 0x4B800000 : f32
    %broadcast_in_dim3A_872 = vector.broadcast %jit3A_871 : f32 to vector<512x128xf32>
    %select_n3A_873 = arith.select %eq3A_870, %select_n3A_858, %broadcast_in_dim3A_872 : vector<512x128xi1>, vector<512x128xf32>
    %reduce_min3A_874 = arith.constant dense<0x7F800000> : vector<512xf32>
    %reduce_min3A_875 = vector.multi_reduction <minimumf>, %select_n3A_873, %reduce_min3A_874 [1] : vector<512x128xf32> to vector<512xf32>
    %select_n3A_876 = arith.select %eq3A_870, %select_n3A_859, %select_n3A_857 : vector<512x128xi1>, vector<512x128xf32>
    %select_n3A_877 = arith.select %eq3A_870, %select_n3A_860, %select_n3A_858 : vector<512x128xi1>, vector<512x128xf32>
    %select_n3A_878 = arith.select %eq3A_870, %select_n3A_861, %select_n3A_859 : vector<512x128xi1>, vector<512x128xf32>
    %select_n3A_879 = arith.select %eq3A_870, %select_n3A_862, %select_n3A_860 : vector<512x128xi1>, vector<512x128xf32>
    %select_n3A_880 = arith.select %eq3A_870, %select_n3A_865, %select_n3A_861 : vector<512x128xi1>, vector<512x128xf32>
    %select_n3A_881 = arith.select %eq3A_870, %add3A_792, %select_n3A_862 : vector<512x128xi1>, vector<512x128xf32>
    %reduce_min3A_882 = arith.constant dense<0x7F800000> : vector<512xf32>
    %reduce_min3A_883 = vector.multi_reduction <minimumf>, %select_n3A_876, %reduce_min3A_882 [1] : vector<512x128xf32> to vector<512xf32>
    %broadcast_in_dim3A_884 = vector.shape_cast %reduce_min3A_883 : vector<512xf32> to vector<512x1xf32>
    %eq3A_885 = vector.broadcast %broadcast_in_dim3A_884 : vector<512x1xf32> to vector<512x128xf32>
    %eq3A_886 = arith.cmpf oeq, %select_n3A_876, %eq3A_885 : vector<512x128xf32>
    %jit3A_887 = arith.constant 0x4B800000 : f32
    %broadcast_in_dim3A_888 = vector.broadcast %jit3A_887 : f32 to vector<512x128xf32>
    %select_n3A_889 = arith.select %eq3A_886, %select_n3A_877, %broadcast_in_dim3A_888 : vector<512x128xi1>, vector<512x128xf32>
    %reduce_min3A_890 = arith.constant dense<0x7F800000> : vector<512xf32>
    %reduce_min3A_891 = vector.multi_reduction <minimumf>, %select_n3A_889, %reduce_min3A_890 [1] : vector<512x128xf32> to vector<512xf32>
    %select_n3A_892 = arith.select %eq3A_886, %select_n3A_878, %select_n3A_876 : vector<512x128xi1>, vector<512x128xf32>
    %select_n3A_893 = arith.select %eq3A_886, %select_n3A_879, %select_n3A_877 : vector<512x128xi1>, vector<512x128xf32>
    %select_n3A_894 = arith.select %eq3A_886, %select_n3A_880, %select_n3A_878 : vector<512x128xi1>, vector<512x128xf32>
    %select_n3A_895 = arith.select %eq3A_886, %select_n3A_881, %select_n3A_879 : vector<512x128xi1>, vector<512x128xf32>
    %reduce_min3A_896 = arith.constant dense<0x7F800000> : vector<512xf32>
    %reduce_min3A_897 = vector.multi_reduction <minimumf>, %select_n3A_892, %reduce_min3A_896 [1] : vector<512x128xf32> to vector<512xf32>
    %broadcast_in_dim3A_898 = vector.shape_cast %reduce_min3A_897 : vector<512xf32> to vector<512x1xf32>
    %eq3A_899 = vector.broadcast %broadcast_in_dim3A_898 : vector<512x1xf32> to vector<512x128xf32>
    %eq3A_900 = arith.cmpf oeq, %select_n3A_892, %eq3A_899 : vector<512x128xf32>
    %jit3A_901 = arith.constant 0x4B800000 : f32
    %broadcast_in_dim3A_902 = vector.broadcast %jit3A_901 : f32 to vector<512x128xf32>
    %select_n3A_903 = arith.select %eq3A_900, %select_n3A_893, %broadcast_in_dim3A_902 : vector<512x128xi1>, vector<512x128xf32>
    %reduce_min3A_904 = arith.constant dense<0x7F800000> : vector<512xf32>
    %reduce_min3A_905 = vector.multi_reduction <minimumf>, %select_n3A_903, %reduce_min3A_904 [1] : vector<512x128xf32> to vector<512xf32>
    %select_n3A_906 = arith.select %eq3A_900, %select_n3A_894, %select_n3A_892 : vector<512x128xi1>, vector<512x128xf32>
    %select_n3A_907 = arith.select %eq3A_900, %select_n3A_895, %select_n3A_893 : vector<512x128xi1>, vector<512x128xf32>
    %reduce_min3A_908 = arith.constant dense<0x7F800000> : vector<512xf32>
    %reduce_min3A_909 = vector.multi_reduction <minimumf>, %select_n3A_906, %reduce_min3A_908 [1] : vector<512x128xf32> to vector<512xf32>
    %broadcast_in_dim3A_910 = vector.shape_cast %reduce_min3A_909 : vector<512xf32> to vector<512x1xf32>
    %eq3A_911 = vector.broadcast %broadcast_in_dim3A_910 : vector<512x1xf32> to vector<512x128xf32>
    %eq3A_912 = arith.cmpf oeq, %select_n3A_906, %eq3A_911 : vector<512x128xf32>
    %jit3A_913 = arith.constant 0x4B800000 : f32
    %broadcast_in_dim3A_914 = vector.broadcast %jit3A_913 : f32 to vector<512x128xf32>
    %select_n3A_915 = arith.select %eq3A_912, %select_n3A_907, %broadcast_in_dim3A_914 : vector<512x128xi1>, vector<512x128xf32>
    %reduce_min3A_916 = arith.constant dense<0x7F800000> : vector<512xf32>
    %reduce_min3A_917 = vector.multi_reduction <minimumf>, %select_n3A_915, %reduce_min3A_916 [1] : vector<512x128xf32> to vector<512xf32>
    %stack3A = vector.shape_cast %reduce_min3A_799 : vector<512xf32> to vector<512x1xf32>
    %stack3A_918 = vector.shape_cast %reduce_min3A_818 : vector<512xf32> to vector<512x1xf32>
    %stack3A_919 = vector.shape_cast %reduce_min3A_837 : vector<512xf32> to vector<512x1xf32>
    %stack3A_920 = vector.shape_cast %reduce_min3A_856 : vector<512xf32> to vector<512x1xf32>
    %stack3A_921 = vector.shape_cast %reduce_min3A_875 : vector<512xf32> to vector<512x1xf32>
    %stack3A_922 = vector.shape_cast %reduce_min3A_891 : vector<512xf32> to vector<512x1xf32>
    %stack3A_923 = vector.shape_cast %reduce_min3A_905 : vector<512xf32> to vector<512x1xf32>
    %stack3A_924 = vector.shape_cast %reduce_min3A_917 : vector<512xf32> to vector<512x1xf32>
    %stack3A_925 = tpu.concatenate %stack3A, %stack3A_918, %stack3A_919, %stack3A_920, %stack3A_921, %stack3A_922, %stack3A_923, %stack3A_924 in 1 : vector<512x1xf32>, vector<512x1xf32>, vector<512x1xf32>, vector<512x1xf32>, vector<512x1xf32>, vector<512x1xf32>, vector<512x1xf32>, vector<512x1xf32> -> vector<512x8xf32>
    %convert_element_type3A_926 = arith.fptosi %stack3A_925 : vector<512x8xf32> to vector<512x8xi32>
    %mul3A_927 = arith.constant 4096 : i32
    %mul3A_928 = arith.muli %arg0, %mul3A_927 : i32
    %add3A_929 = vector.broadcast %mul3A_928 : i32 to vector<512x8xi32>
    %add3A_930 = arith.addi %convert_element_type3A_926, %add3A_929 : vector<512x8xi32>
    %swap3A_931 = arith.constant 0 : index
    %swap3A_932 = arith.constant 0 : index
    %swap3A_933 = vector.load %arg8[%swap3A_931, %swap3A_932] : memref<512x8xi32, #tpu.memory_space<vmem>>, vector<512x8xi32>
    tpu.vector_store %arg8[%swap3A_931, %swap3A_932], %add3A_930 {strides = array<i32>} : memref<512x8xi32, #tpu.memory_space<vmem>>, vector<512x8xi32>,
    return
  }
  func.func @transform_0(%arg0: i32, %arg1: i32) -> (i32, i32, i32) {
    %c0_i32 = arith.constant 0 : i32
    %c0_i32_0 = arith.constant 0 : i32
    return %arg0, %arg1, %c0_i32 : i32, i32, i32
  }
  func.func @transform_1(%arg0: i32, %arg1: i32) -> (i32, i32, i32) {
    %c0_i32 = arith.constant 0 : i32
    %c0_i32_0 = arith.constant 0 : i32
    %c0_i32_1 = arith.constant 0 : i32
    return %arg0, %c0_i32, %c0_i32_0 : i32, i32, i32
  }
  func.func @transform_2(%arg0: i32, %arg1: i32) -> (i32, i32, i32) {
    %c0_i32 = arith.constant 0 : i32
    %c0_i32_0 = arith.constant 0 : i32
    %c0_i32_1 = arith.constant 0 : i32
    return %arg0, %c0_i32, %c0_i32_0 : i32, i32, i32
  }
  func.func @transform_3(%arg0: i32, %arg1: i32) -> (i32, i32) {
    %mul3A = arith.constant 8 : i32
    %mul3A_0 = arith.muli %arg0, %mul3A : i32
    %add3A = arith.addi %mul3A_0, %arg1 : i32
    %c0_i32 = arith.constant 0 : i32
    %c0_i32_1 = arith.constant 0 : i32
    return %add3A, %c0_i32 : i32, i32
  }
  func.func @transform_4(%arg0: i32, %arg1: i32) -> (i32, i32) {
    %c0_i32 = arith.constant 0 : i32
    %c0_i32_0 = arith.constant 0 : i32
    %c0_i32_1 = arith.constant 0 : i32
    return %c0_i32, %c0_i32_0 : i32, i32
  }
  func.func @transform_5(%arg0: i32, %arg1: i32) -> (i32, i32) {
    %c0_i32 = arith.constant 0 : i32
    %c0_i32_0 = arith.constant 0 : i32
    %c0_i32_1 = arith.constant 0 : i32
    return %c0_i32, %c0_i32_0 : i32, i32
  }
  func.func @transform_6(%arg0: i32, %arg1: i32) -> (i32, i32) {
    %mul3A = arith.constant 8 : i32
    %mul3A_0 = arith.muli %arg0, %mul3A : i32
    %add3A = arith.addi %mul3A_0, %arg1 : i32
    %c0_i32 = arith.constant 0 : i32
    %c0_i32_1 = arith.constant 0 : i32
    return %add3A, %c0_i32 : i32, i32
  }
  func.func @transform_7(%arg0: i32, %arg1: i32) -> (i32, i32) {
    %mul3A = arith.constant 8 : i32
    %mul3A_0 = arith.muli %arg0, %mul3A : i32
    %add3A = arith.addi %mul3A_0, %arg1 : i32
    %c0_i32 = arith.constant 0 : i32
    %c0_i32_1 = arith.constant 0 : i32
    return %add3A, %c0_i32 : i32, i32
  }
  func.func @transform_8(%arg0: i32, %arg1: i32) -> (i32, i32) {
    %mul3A = arith.constant 8 : i32
    %mul3A_0 = arith.muli %arg0, %mul3A : i32
    %add3A = arith.addi %mul3A_0, %arg1 : i32
    %c0_i32 = arith.constant 0 : i32
    %c0_i32_1 = arith.constant 0 : i32
    return %add3A, %c0_i32 : i32, i32
  }
}

module attributes {stable_mosaic.version = 14 : i64} {
  func.func @_mlp2_body(%arg0: i32, %arg1: memref<2048x128xf32, #tpu.memory_space<vmem>>, %arg2: memref<16384x128xf32, #tpu.memory_space<vmem>>, %arg3: memref<128x128xf32, #tpu.memory_space<vmem>>, %arg4: memref<1x128xf32, #tpu.memory_space<vmem>>, %arg5: memref<2048x128xf32, #tpu.memory_space<vmem>>) attributes {dimension_semantics = [#tpu.dimension_semantics<arbitrary>], iteration_bounds = array<i64: 8>, scalar_prefetch = 0 : i64, scratch_operands = 0 : i64, tpu.core_type = #tpu.core_type<tc>, window_params = [{transform_indices = @transform_0, window_bounds = array<i64: 2048, 128>}, {transform_indices = @transform_1, window_bounds = array<i64: 16384, 128>}, {pipeline_mode = #tpu.pipeline_mode<synchronous>, transform_indices = @transform_2, window_bounds = array<i64: 128, 128>}, {pipeline_mode = #tpu.pipeline_mode<synchronous>, transform_indices = @transform_3, window_bounds = array<i64: 1, 128>}, {transform_indices = @transform_4, window_bounds = array<i64: 2048, 128>}]} {
    %get3A = arith.constant 0 : index
    %get3A_0 = arith.constant 0 : index
    %get3A_1 = vector.load %arg1[%get3A, %get3A_0] : memref<2048x128xf32, #tpu.memory_space<vmem>>, vector<2048x128xf32>
    %get3A_2 = arith.constant 0 : index
    %get3A_3 = arith.constant 0 : index
    %get3A_4 = vector.load %arg2[%get3A_2, %get3A_3] : memref<16384x128xf32, #tpu.memory_space<vmem>>, vector<16384x128xf32>
    %reshape3A = vector.shape_cast %get3A_4 : vector<16384x128xf32> to vector<2048x8x128xf32>
    %broadcast_in_dim3A = vector.shape_cast %get3A_1 : vector<2048x128xf32> to vector<2048x1x128xf32>
    %add3A = vector.broadcast %broadcast_in_dim3A : vector<2048x1x128xf32> to vector<2048x8x128xf32>
    %add3A_5 = arith.addf %add3A, %reshape3A : vector<2048x8x128xf32>
    %max3A = arith.constant 0.000000e+00 : f32
    %max3A_6 = vector.broadcast %max3A : f32 to vector<2048x8x128xf32>
    %max3A_7 = arith.maximumf %add3A_5, %max3A_6 : vector<2048x8x128xf32>
    %reshape3A_8 = vector.shape_cast %max3A_7 : vector<2048x8x128xf32> to vector<16384x128xf32>
    %get3A_9 = arith.constant 0 : index
    %get3A_10 = arith.constant 0 : index
    %get3A_11 = vector.load %arg3[%get3A_9, %get3A_10] : memref<128x128xf32, #tpu.memory_space<vmem>>, vector<128x128xf32>
    %dot_general3A = arith.constant dense<0.000000e+00> : vector<16384x128xf32>
    %dot_general3A_12 = tpu.matmul %reshape3A_8, %get3A_11, %dot_general3A {dimension_numbers = #tpu.dot_dimension_numbers<[1], [0], [0], [1], [0, 0, 1, 1], [], []>, transpose_lhs_hint = false} : vector<16384x128xf32>, vector<128x128xf32>, vector<16384x128xf32> -> vector<16384x128xf32>
    %reshape3A_13 = vector.shape_cast %dot_general3A_12 : vector<16384x128xf32> to vector<2048x8x128xf32>
    %reduce_max3A = arith.constant dense<0xFF800000> : vector<2048x128xf32>
    %reduce_max3A_14 = vector.multi_reduction <maximumf>, %reshape3A_13, %reduce_max3A [1] : vector<2048x8x128xf32> to vector<2048x128xf32>
    %get3A_15 = arith.constant 0 : index
    %get3A_16 = arith.constant 0 : index
    %get3A_17 = vector.load %arg4[%get3A_15, %get3A_16] : memref<1x128xf32, #tpu.memory_space<vmem>>, vector<1x128xf32>
    %add3A_18 = vector.broadcast %get3A_17 : vector<1x128xf32> to vector<2048x128xf32>
    %add3A_19 = arith.addf %reduce_max3A_14, %add3A_18 : vector<2048x128xf32>
    %swap3A = arith.constant 0 : index
    %swap3A_20 = arith.constant 0 : index
    %swap3A_21 = vector.load %arg5[%swap3A, %swap3A_20] : memref<2048x128xf32, #tpu.memory_space<vmem>>, vector<2048x128xf32>
    tpu.vector_store %arg5[%swap3A, %swap3A_20], %add3A_19 {strides = array<i32>} : memref<2048x128xf32, #tpu.memory_space<vmem>>, vector<2048x128xf32>,
    return
  }
  func.func @transform_0(%arg0: i32) -> (i32, i32) {
    %c0_i32 = arith.constant 0 : i32
    %c0_i32_0 = arith.constant 0 : i32
    return %arg0, %c0_i32 : i32, i32
  }
  func.func @transform_1(%arg0: i32) -> (i32, i32) {
    %c0_i32 = arith.constant 0 : i32
    %c0_i32_0 = arith.constant 0 : i32
    return %arg0, %c0_i32 : i32, i32
  }
  func.func @transform_2(%arg0: i32) -> (i32, i32) {
    %c0_i32 = arith.constant 0 : i32
    %c0_i32_0 = arith.constant 0 : i32
    %c0_i32_1 = arith.constant 0 : i32
    return %c0_i32, %c0_i32_0 : i32, i32
  }
  func.func @transform_3(%arg0: i32) -> (i32, i32) {
    %c0_i32 = arith.constant 0 : i32
    %c0_i32_0 = arith.constant 0 : i32
    %c0_i32_1 = arith.constant 0 : i32
    return %c0_i32, %c0_i32_0 : i32, i32
  }
  func.func @transform_4(%arg0: i32) -> (i32, i32) {
    %c0_i32 = arith.constant 0 : i32
    %c0_i32_0 = arith.constant 0 : i32
    return %arg0, %c0_i32 : i32, i32
  }
}

</mosaic_0001>

<sc_bundles>
// kernel: kernel.6.cloned.1.call-start
scs
__scs_entry_jumppad:
0x0: {  	(pc) =	sbr.rel $0x88, $3  }
0x1: {  	(tag) =	ssettag $0x0;
	lr =	simm.s32 $0x1  }
0x2: {  	[smem:$0x3F9B] =	sst lr;
	_ =	strace $0xD0000000  }
0x3: {  	_ = 	snop  }
0x4: {  	_ = 	snop  }
0x5: {  	_ = 	snop  }
0x6: {  	_ = 	snop  }
0x7: {  	_ = 	snop  }
__scs_overlays_trampoline_lowered:
0x8: {  	[smem:$0x3FAA] =	sst s0  }
0x9: {  	[smem:$0x3FAB] =	sst s1  }
0xa: {  	[smem:$0x3FAC] =	sst s2  }
0xb: {  	[smem:$0x3FAD] =	sst s3  }
0xc: {  	[smem:$0x3FAE] =	sst s4  }
0xd: {  	[smem:$0x3FAF] =	sst s5  }
0xe: {  	[smem:$0x3FB0] =	sst s6  }
0xf: {  	[smem:$0x3FB1] =	sst s7  }
0x10: {  	[smem:$0x3FB2] =	sst s8  }
0x11: {  	[smem:$0x3FB3] =	sst s9;
	s0 =	simm.s32 @!p0 $0x0  }
0x12: {  	s1 =	sld [smem:$0x3F99];
	s0 =	simm.s32 @p0 $0x1  }
0x13: {  	[smem:$0x3FB4] =	sst s0;
	s0 =	simm.s32 @!p1 $0x0  }
0x14: {  	s2 =	sld [smem:$0x3F98];
	s0 =	simm.s32 @p1 $0x1  }
0x15: {  	[smem:$0x3FB5] =	sst s0;
	s0 =	simm.s32 @!p2 $0x0  }
0x16: {  	s3 =	sld [smem:$0x3FDB];
	s0 =	simm.s32 @p2 $0x1  }
0x17: {  	s4 =	simm.s32 $0x1BF5;
	[smem:$0x3FB7] =	sst s0  }
0x18: {  	s0 =	sld [smem:$0x3F9A];
	_ =	swait.ge [sflag:s4], $0x0  }
0x19: {  	s7 =	sld [smem:$0x3F9B]  }
0x1a: {  	s8 =	sadd.s32 $0xFFFFE003, lr  }
0x1b: {  	s9 =	sadd.s32 $0xFFFFFEF7, lr;
	s5 =	simm.s32 $0xFFFFFFFF;
	p2 =	slt.u32 s8, $0xFFFFF086  }
0x1c: {  	p1 =	slt.u32 s9, $0xF7A;
	s5 =	simm.s32 @!p2 $0x0  }
0x1d: {  	s5 =	simm.s32 @p1 $0x1;
	p0 =	seq.s32 s7, s2  }
0x1e: {  	s7 =	smul.u32 @!p0 $0xF7A, s2;
	p2 =	seq.s32 @!p0 s5, $0x0  }
0x1f: {  	s9 =	smul.u32 $0xF7A, s1;
	s8 =	simm.s32 @!p0 $0x1BF5;
	p2 =	por !p2, p0  }
0x20: {  	[sflag:s8] =	ssyncset.s32 @!p0 $0xFFFFF086;
	s6 =	sadd.s32 @!p0 s3, s7;
	s7 =	simm.s32 @!p0 $0x108  }
0x21: {  	s3 =	sadd.s32 s3, s9;
	s6 =	sadd.s32 @!p0 $0x88, s6;
	s7 =	simm.s32 @p2 $0x1082  }
0x22: {  	[simem:s7], [sflag:s8] =	dma.local @!p0 [hbm:s6], $0xF7A  }
0x23: {  	s9 =	sor.u32 $0xD0000000, s2;
	s6 =	simm.s32 $0x108;
	_ =	swait.ge @!p0 [sflag:s8], $0x0  }
0x24: {  	s3 =	sadd.s32 $0x88, s3;
	s6 =	simm.s32 @!p1 $0x1082;
	[sflag:s4] =	ssyncset.s32 $0xFFFFF086  }
0x25: {  	[simem:s6], [sflag:s4] =	dma.local [hbm:s3], $0xF7A  }
0x26: {  	[smem:$0x3F9B] =	sst s1;
	(tag) =	ssettag s2;
	_ =	strace s9  }
0x27: {  	s1 =	sld [smem:$0x3FAB]  }
0x28: {  	s2 =	sld [smem:$0x3FAC]  }
0x29: {  	s4 =	sld [smem:$0x3FAE]  }
0x2a: {  	p0 =	seq.s32 s5, $0x0;
	s5 =	sld [smem:$0x3FAF]  }
0x2b: {  	s6 =	sld [smem:$0x3FB0]  }
0x2c: {  	s7 =	sld [smem:$0x3FB1]  }
0x2d: {  	s3 =	simm.s32 $0x108;
	s8 =	sld [smem:$0x3FB2]  }
0x2e: {  	s3 =	simm.s32 @!p0 $0x1082;
	s9 =	sld [smem:$0x3FB3]  }
0x2f: {  	lr =	sadd.s32 s0, s3;
	s0 =	sld [smem:$0x3FAA]  }
0x30: {  	s3 =	sld [smem:$0x3FAD]  }
0x31: {  	[smem:$0x3FB6] =	sst s10  }
0x32: {  	s10 =	sld [smem:$0x3FB4];
	_ =	sdelay $0x3  }
0x33: {  	p0 =	seq.s32 s10, $0x1;
	s10 =	sld [smem:$0x3FB6];
	_ =	sdelay $0x3  }
0x34: {  	[smem:$0x3FB6] =	sst s10  }
0x35: {  	s10 =	sld [smem:$0x3FB5];
	_ =	sdelay $0x3  }
0x36: {  	p1 =	seq.s32 s10, $0x1;
	s10 =	sld [smem:$0x3FB6];
	_ =	sdelay $0x3  }
0x37: {  	[smem:$0x3FB6] =	sst s10  }
0x38: {  	s10 =	sld [smem:$0x3FB7]  }
0x39: {  	_ = 	snop;
	(pc) =	sbr.ind lr, $3  }
0x3a: {  	_ = 	snop  }
0x3b: {  	_ = 	snop  }
0x3c: {  	p2 =	seq.s32 s10, $0x1;
	s10 =	sld [smem:$0x3FB6]  }
0x3d: {  	_ =	shalt  }
0x3e: {  	_ =	shalt  }
0x3f: {  	_ =	shalt  }
0x40: {  	_ =	shalt  }
0x41: {  	_ =	shalt  }
0x42: {  	_ =	shalt  }
0x43: {  	_ =	shalt  }
0x44: {  	_ =	shalt  }
0x45: {  	_ =	shalt  }
0x46: {  	_ =	shalt  }
0x47: {  	_ =	shalt  }
0x48: {  	_ =	shalt  }
0x49: {  	_ =	shalt  }
0x4a: {  	_ =	shalt  }
0x4b: {  	_ =	shalt  }
0x4c: {  	_ =	shalt  }
0x4d: {  	_ =	shalt  }
0x4e: {  	_ =	shalt  }
0x4f: {  	_ =	shalt  }
0x50: {  	_ =	shalt  }
0x51: {  	_ =	shalt  }
0x52: {  	_ =	shalt  }
0x53: {  	_ =	shalt  }
0x54: {  	_ =	shalt  }
0x55: {  	_ =	shalt  }
0x56: {  	_ =	shalt  }
0x57: {  	_ =	shalt  }
0x58: {  	_ =	shalt  }
0x59: {  	_ =	shalt  }
0x5a: {  	_ =	shalt  }
0x5b: {  	_ =	shalt  }
0x5c: {  	_ =	shalt  }
0x5d: {  	_ =	shalt  }
0x5e: {  	_ =	shalt  }
0x5f: {  	_ =	shalt  }
0x60: {  	_ =	shalt  }
0x61: {  	_ =	shalt  }
0x62: {  	_ =	shalt  }
0x63: {  	_ =	shalt  }
0x64: {  	_ =	shalt  }
0x65: {  	_ =	shalt  }
0x66: {  	_ =	shalt  }
0x67: {  	_ =	shalt  }
0x68: {  	_ =	shalt  }
0x69: {  	_ =	shalt  }
0x6a: {  	_ =	shalt  }
0x6b: {  	_ =	shalt  }
0x6c: {  	_ =	shalt  }
0x6d: {  	_ =	shalt  }
0x6e: {  	_ =	shalt  }
0x6f: {  	_ =	shalt  }
0x70: {  	_ =	shalt  }
0x71: {  	_ =	shalt  }
0x72: {  	_ =	shalt  }
0x73: {  	_ =	shalt  }
0x74: {  	_ =	shalt  }
0x75: {  	_ =	shalt  }
0x76: {  	_ =	shalt  }
0x77: {  	_ =	shalt  }
0x78: {  	_ =	shalt  }
0x79: {  	_ =	shalt  }
0x7a: {  	_ =	shalt  }
0x7b: {  	_ =	shalt  }
0x7c: {  	_ =	shalt  }
0x7d: {  	_ =	shalt  }
0x7e: {  	_ =	shalt  }
0x7f: {  	_ =	shalt  }
0x80: {  	_ =	shalt  }
0x81: {  	_ =	shalt  }
0x82: {  	_ =	shalt  }
0x83: {  	_ =	shalt  }
0x84: {  	_ =	shalt  }
0x85: {  	_ =	shalt  }
0x86: {  	_ =	shalt  }
0x87: {  	_ =	shalt  }
.Lfunc_end0:
.L_simem_size_0:
called_computation_lowered:
.L_overlay_start_0:
0x88: {  	s2 =	sld [smem:$0x3FD9]  }
0x89: {  	s3 =	sld [smem:$0x3FFE];
	_ =	sdelay $0x1  }
0x8a: {  	s1 =	srdreg.scid  }
0x8b: {  	s0 =	sand.u32 $0x1, s1  }
0x8c: {  	s17 =	sshll.u32 s0, $0xA;
	s2 =	sadd.s32 s3, s2  }
0x8d: {  	s2 =	sadd.s32 s2, s17  }
0x8e: {  	[smem:$0x3FC2] =	sst s2  }
0x8f: {  	_ = 	snop  }
0x90: {  	s2 =	sld [smem:$0x3FD0];
	(tm) =	ssettm $0x1  }
0x91: {  	s18 =	sld [smem:$0x3FFB];
	_ =	sdelay $0x3  }
0x92: {  	_ =	strace s18  }
0x93: {  	s3 =	sld [smem:$0x3FFC];
	_ =	sdelay $0x3  }
0x94: {  	_ =	strace s3  }
0x95: {  	s3 =	sld [smem:$0x3FFD];
	_ =	sdelay $0x3  }
0x96: {  	_ =	strace s3  }
0x97: {  	_ =	strace $0x8FFFFFFF  }
0x98: {  	s19 =	sld [smem:$0x3FDB];
	_ =	sdelay $0x1  }
0x99: {  	s4 =	simm.s32 $_scs_section_size  }
0x9a: {  	s5 =	simm.s32 $_size__tile_overlayer_lowered;
	s6 =	simm.s32 $_tile_overlayer_lowered  }
0x9b: {  	s22 =	simm.s32 $0x1BFF;
	s21 =	sshll.u32 s6, $0x1;
	s3 =	sadd.s32 s4, s19  }
0x9c: {  	s7 =	simm.s32 $0x0;
	s20 =	sshll.u32 s5, $0x1;
	s5 =	sadd.s32 s21, s3  }
0x9d: {  	[timem:s7], [sflag:s22] =	dma.local [hbm:s5], s20  }
0x9e: {  	_ =	swait.ge [sflag:s22], s20  }
0x9f: {  	s4 =	ssub.s32 $0x0, s20;
	[sflag:s22] =	ssyncset.done $0x0  }
0xa0: {  	[sflag:s22] =	ssyncadd.s32 s4;
	_ =	sdelay $0x1  }
0xa1: {  	s23 =	simm.s32 $0x1B8B  }
0xa2: {  	_ =	swait.ge [sflag:s23], $0x1  }
0xa3: {  	[sflag:s23] =	ssyncset.done $0x0  }
0xa4: {  	s25 =	simm.s32 $0x1B8E;
	s24 =	sld [smem:$0x3FFE];
	[sflag:s23] =	ssyncadd.s32 $0xFFFFFFFF  }
0xa5: {  	s26 =	simm.s32 $execute0_lowered;
	[smem:$0x3FD2] =	sst s25  }
0xa6: {  	s5 =	sshll.u32 s26, $0x1;
	_ =	strace $0x80000046;
	[dreg:$0x1] =	wrdreg $0xFFFFFFFF  }
0xa7: {  	s28 =	simm.s32 $_size_execute0_lowered;
	s3 =	sadd.s32 s3, s5;
	[dreg:$0x0] =	wrdreg $0x0  }
0xa8: {  	s5 =	sshll.u32 s28, $0x1;
	[dreg:$0x2] =	wrdreg s3  }
0xa9: {  	[dreg:$0x3] =	wrdreg s5  }
0xaa: {  	[dreg:$0x4] =	wrdreg $0xC0  }
0xab: {  	_ =	task [dreg:s7], $0x5FFFF  }
0xac: {  	[dreg:$0x1] =	wrdreg $0xFFFFFFFF  }
0xad: {  	[dreg:$0x0] =	wrdreg $0x60  }
0xae: {  	[dreg:$0x2] =	wrdreg s24  }
0xaf: {  	[dreg:$0x3] =	wrdreg s2  }
0xb0: {  	[dreg:$0x4] =	wrdreg $0x9  }
0xb1: {  	_ =	task.clear_ibuf [dreg:s7], $0x5FFFF;
	_ =	strace $0x90000046  }
0xb2: {  	s29 =	simm.s32 $0x9;
	_ =	strace $0x80000048  }
0xb3: {  	_ =	swait.ge [sflag:s29], $0x1  }
0xb4: {  	[sflag:s29] =	ssyncadd.s32 $0xFFFFFFFF  }
0xb5: {  	_ =	strace $0x90000048  }
0xb6: {  	_ =	sfence  }
0xb7: {  	s30 =	sld [smem:$0x0];
	_ =	sdelay $0x2  }
0xb8: {  	s31 =	sshll.u32 s1, $0xD;
	s1 =	sshrl.u32 s1, $0x2  }
0xb9: {  	s3 =	sand.u32 $0x4000, s31;
	s1 =	sadd.s32 s1, s30  }
0xba: {  	s0 =	sor.u32 s3, s0;
	s1 =	sshll.u32 s1, $0x11  }
0xbb: {  	s0 =	sor.u32 s1, s0  }
0xbc: {  	s0 =	sadd.s32 $0x8F2B, s0  }
0xbd: {  	[sflag:s0] =	ssyncadd.remote.s32 $0x1  }
0xbe: {  	_ =	sfence.sel $0xFFFF  }
0xbf: {  	[dreg:$0x0] =	wrdreg $0xFFFFFFFF;
	(pc) =	sbr.abs _section_cstart, $3  }
0xc0: {  	[dreg:$0x1] =	wrdreg $0xFFFFFFFF  }
0xc1: {  	_ =	task.clear_ibuf [dreg:s7], $0x2FFFF;
	_ =	strace $0x9FFFFFFF  }
0xc2: {  	(tm) =	ssettm $0x7FFFFFFF  }
0xc3: {  	_ =	shalt  }
tec
execute0_lowered:
.L_overlay_start_1:
0x0: {  	(tag) =	ssettag $0x1  }
0x1: {  	s4 =	rddreg [dreg:$0x0]  }
0x2: {  	s5 =	rddreg [dreg:$0x1]  }
0x3: {  	s0 =	rddreg [dreg:$0x2]  }
0x4: {  	s2 =	simm.s32 $0x0;
	s3 =	srdreg.scid;
	s1 =	stileid.u32  }
0x5: {  	s12 =	simm.s32 $0x9000;
	s13 =	simm.s32 $0x1;
	s14 =	simm.s32 $0x2  }
0x6: {  	s15 =	simm.s32 $0xF00;
	s16 =	simm.s32 $0x0;
	[smem:$0x7FF] =	sst s2  }
0x7: {  	s8 =	sand.u32 $0x1, s3;
	s3 =	sadd.s32 $0x1200, s4;
	s6 =	sshll.u32 s1, $0xD  }
0x8: {  	s9 =	sadd.s32 $0x41200, s4;
	s11 =	sshll.u32 s1, $0x11;
	s7 =	sshll.u32 s8, $0xC  }
0x9: {  	_ =	strace $0x80000047;
	s29 =	ssub.s32 $0x2, s8;
	s6 =	sor.u32 s7, s6  }
0xa: {  	s8 =	sshll.u32 s8, $0x10;
	s30 =	sshrl.u32 s29, $0x1;
	s10 =	sshrl.u32 s6, $0x3  }
0xb: {  	s6 =	sshll.u32 s6, $0x4;
	s7 =	ssub.s32 s29, s30;
	s4 =	sadd.s32 s5, s10  }
0xc: {  	s31 =	sadd.s32 s6, s9;
	s5 =	smax.u32 s7, $0x1;
	s9 =	sadd.s32 s11, s9  }
0xd: {  	s10 =	simm.s32 $0x100;
	s11 =	simm.s32 $0x1000;
	s6 =	sadd.s32 $0xE000, s31  }
0xe: {  	s7 =	sadd.s32 $0xF000, s31;
	s8 =	sadd.s32 s8, s9;
	s9 =	simm.s32 $0x3  }
.LBB2_1:
0xf: {  	[tilespmem:s2], [sflag:$0x3] =	stream.linear.gather [hbm4b:s4+s2], $0x1000, $0x38;
	[tilespmem:$0x11000] =	vst v63  }
0x10: {  	_ =	swait.ge [sflag:s9], $0x1000  }
0x11: {  	[sflag:s9] =	ssyncset.done $0x0  }
0x12: {  	[sflag:s9] =	ssyncadd.s32 $0xFFFFF000  }
0x13: {  	[tilespmem:s11], [sflag:$0x1] =	stream.indirect.gather [hbm4b:s3+s10], $0x80, s2, s10, $0xb8;
	[tilespmem:$0x11000] =	vst v63  }
0x14: {  	s17 =	simm.s32 $0x100  }
0x15: {  	[tilespmem:s12], [sflag:$0x2] =	stream.indirect.gather [hbm4b:s3+s10], $0x80, s17, s10, $0xb8;
	[tilespmem:$0x11000] =	vst v63  }
0x16: {  	_ =	swait.ge [sflag:s13], $0x8000  }
0x17: {  	[sflag:s13] =	ssyncset.done $0x0  }
0x18: {  	s31 =	sadd.s32 $0x0, s8;
	[sflag:s13] =	ssyncadd.s32 $0xFFFF8000  }
0x19: {  	[hbm4b:s31+s2] =	stream.linear.scatter [tilespmem:s11], [sflag:$0x3], $0x8000, $0x38;
	[tilespmem:$0x11000] =	vst v63  }
0x1a: {  	_ =	swait.ge [sflag:s9], $0x8000  }
0x1b: {  	[sflag:s9] =	ssyncset.done $0x0  }
0x1c: {  	s18 =	simm.s32 $0x200;
	[sflag:s9] =	ssyncadd.s32 $0xFFFF8000  }
0x1d: {  	[tilespmem:s11], [sflag:$0x1] =	stream.indirect.gather [hbm4b:s3+s10], $0x80, s18, s10, $0xb8;
	[tilespmem:$0x11000] =	vst v63  }
0x1e: {  	_ =	swait.ge [sflag:s14], $0x8000  }
0x1f: {  	[sflag:s14] =	ssyncset.done $0x0  }
0x20: {  	s17 =	sadd.s32 $0x1000, s31;
	[sflag:s14] =	ssyncadd.s32 $0xFFFF8000  }
0x21: {  	[hbm4b:s17+s2] =	stream.linear.scatter [tilespmem:s12], [sflag:$0x3], $0x8000, $0x38;
	[tilespmem:$0x11000] =	vst v63  }
0x22: {  	s19 =	simm.s32 $0x4000;
	_ =	swait.ge [sflag:s9], $0x8000  }
0x23: {  	s18 =	simm.s32 $0x2000;
	s17 =	simm.s32 $0x400;
	[sflag:s9] =	ssyncset.done $0x0  }
.LBB2_2:
0x24: {  	p0 =	sne.s32 s19, $0xC000;
	s20 =	sadd.s32 $0xFFFFFF00, s17;
	[sflag:s9] =	ssyncadd.s32 $0xFFFF8000  }
0x25: {  	[tilespmem:s12], [sflag:$0x2] =	stream.indirect.gather [hbm4b:s3+s10], $0x80, s20, s10, $0xb8;
	[tilespmem:$0x11000] =	vst v63  }
0x26: {  	s20 =	smov.u32 s19;
	s19 =	sadd.s32 $0x2000, s19;
	_ =	swait.ge [sflag:s13], $0x8000  }
0x27: {  	[sflag:s13] =	ssyncset.done $0x0  }
0x28: {  	s21 =	sadd.s32 s18, s8;
	s18 =	smov.u32 s20;
	[sflag:s13] =	ssyncadd.s32 $0xFFFF8000  }
0x29: {  	[hbm4b:s21+s2] =	stream.linear.scatter [tilespmem:s11], [sflag:$0x3], $0x8000, $0x38;
	[tilespmem:$0x11000] =	vst v63  }
0x2a: {  	_ =	swait.ge [sflag:s9], $0x8000  }
0x2b: {  	[sflag:s9] =	ssyncset.done $0x0  }
0x2c: {  	[sflag:s9] =	ssyncadd.s32 $0xFFFF8000  }
0x2d: {  	[tilespmem:s11], [sflag:$0x1] =	stream.indirect.gather [hbm4b:s3+s10], $0x80, s17, s10, $0xb8;
	[tilespmem:$0x11000] =	vst v63  }
0x2e: {  	_ =	swait.ge [sflag:s14], $0x8000  }
.Ltmp0:
0x2f: {  	[sflag:s14] =	ssyncset.done $0x0;
	(pc) =	sbr.rel @p0 .LBB2_2-.Ltmp0, $4  }
0x30: {  	s20 =	sadd.s32 $0x1000, s21;
	[sflag:s14] =	ssyncadd.s32 $0xFFFF8000  }
0x31: {  	[hbm4b:s20+s2] =	stream.linear.scatter [tilespmem:s12], [sflag:$0x3], $0x8000, $0x38;
	[tilespmem:$0x11000] =	vst v63  }
0x32: {  	_ =	swait.ge [sflag:s9], $0x8000  }
0x33: {  	s17 =	sadd.s32 $0x200, s17;
	[sflag:s9] =	ssyncset.done $0x0  }
0x34: {  	s19 =	sadd.s32 $0xFFFFFF00, s17;
	[sflag:s9] =	ssyncadd.s32 $0xFFFF8000  }
0x35: {  	[tilespmem:s12], [sflag:$0x2] =	stream.indirect.gather [hbm4b:s3+s10], $0x80, s19, s10, $0xb8;
	[tilespmem:$0x11000] =	vst v63  }
0x36: {  	_ =	swait.ge [sflag:s13], $0x8000  }
0x37: {  	[sflag:s13] =	ssyncset.done $0x0  }
0x38: {  	s18 =	sadd.s32 s18, s8;
	[sflag:s13] =	ssyncadd.s32 $0xFFFF8000  }
0x39: {  	[hbm4b:s18+s2] =	stream.linear.scatter [tilespmem:s11], [sflag:$0x3], $0x8000, $0x38;
	[tilespmem:$0x11000] =	vst v63  }
0x3a: {  	_ =	swait.ge [sflag:s9], $0x8000  }
0x3b: {  	[sflag:s9] =	ssyncset.done $0x0  }
0x3c: {  	[sflag:s9] =	ssyncadd.s32 $0xFFFF8000  }
0x3d: {  	[tilespmem:s11], [sflag:$0x1] =	stream.indirect.gather [hbm4b:s3+s10], $0x80, s17, s10, $0xb8;
	[tilespmem:$0x11000] =	vst v63  }
0x3e: {  	_ =	swait.ge [sflag:s14], $0x8000  }
0x3f: {  	[sflag:s14] =	ssyncset.done $0x0  }
0x40: {  	s31 =	sadd.s32 $0x1000, s18;
	[sflag:s14] =	ssyncadd.s32 $0xFFFF8000  }
0x41: {  	[hbm4b:s31+s2] =	stream.linear.scatter [tilespmem:s12], [sflag:$0x3], $0x8000, $0x38;
	[tilespmem:$0x11000] =	vst v63  }
0x42: {  	_ =	swait.ge [sflag:s9], $0x8000  }
0x43: {  	[sflag:s9] =	ssyncset.done $0x0  }
0x44: {  	[sflag:s9] =	ssyncadd.s32 $0xFFFF8000  }
0x45: {  	[tilespmem:s12], [sflag:$0x2] =	stream.indirect.gather [hbm4b:s3+s10], $0x80, s15, s10, $0xb8;
	[tilespmem:$0x11000] =	vst v63  }
0x46: {  	_ =	swait.ge [sflag:s13], $0x8000  }
0x47: {  	[sflag:s13] =	ssyncset.done $0x0  }
0x48: {  	[sflag:s13] =	ssyncadd.s32 $0xFFFF8000  }
0x49: {  	[hbm4b:s6+s2] =	stream.linear.scatter [tilespmem:s11], [sflag:$0x3], $0x8000, $0x38;
	[tilespmem:$0x11000] =	vst v63  }
0x4a: {  	_ =	swait.ge [sflag:s9], $0x8000  }
0x4b: {  	[sflag:s9] =	ssyncset.done $0x0  }
0x4c: {  	[sflag:s9] =	ssyncadd.s32 $0xFFFF8000  }
0x4d: {  	s16 =	sadd.s32 $0x1, s16;
	_ =	swait.ge [sflag:s14], $0x8000  }
0x4e: {  	p0 =	sne.s32 s16, s5;
	[sflag:s14] =	ssyncset.done $0x0  }
.Ltmp1:
0x4f: {  	[sflag:s14] =	ssyncadd.s32 $0xFFFF8000;
	(pc) =	sbr.rel @p0 .LBB2_1-.Ltmp1, $4  }
0x50: {  	[hbm4b:s7+s2] =	stream.linear.scatter [tilespmem:s12], [sflag:$0x3], $0x8000, $0x38;
	[tilespmem:$0x11000] =	vst v63  }
0x51: {  	_ =	swait.ge [sflag:s9], $0x8000  }
0x52: {  	[sflag:s9] =	ssyncset.done $0x0  }
0x53: {  	[sflag:s9] =	ssyncadd.s32 $0xFFFF8000  }
0x54: {  	_ =	sfence.sel $0x180000  }
0x55: {  	[bflag:$0x0] =	sbarrier.arrive $0xFFFF  }
0x56: {  	p0 =	sne.s32 s1, $0x0;
	_ =	strace $0x90000047  }
0x57: {  	s0 =	sadd.s32 @!p0 $0x100000, s0;
	[bflag:$0x2] =	sbarrier.arrive $0xFFFF  }
0x58: {  	[sflag:s0] =	ssyncadd.tile.s32 @!p0 $0x1;
	_ =	shalt  }
.Lfunc_end2:
_tile_overlayer_lowered:
.L_overlay_start_2:
0x59: {  	(tag) =	ssettag $0x2  }
0x5a: {  	s0 =	rddreg [dreg:$0x0];
	s2 =	stileid.u32  }
0x5b: {  	s1 =	rddreg [dreg:$0x1];
	p0 =	sne.s32 s2, $0x0  }
0x5c: {  	s3 =	rddreg [dreg:$0x2];
	[bflag:$0x3] =	sbarrier.arrive $0xFFFF;
	s2 =	simm.s32 @!p0 $0x1C03  }
0x5d: {  	[timem:s3], [sflag:s2] =	dma.local @!p0 [hbm:s0], s1  }
0x5e: {  	s0 =	simm.s32 @!p0 $0x3  }
0x5f: {  	_ =	swait.ge @!p0 [sflag:s0], s1  }
0x60: {  	s1 =	ssub.s32 @!p0 $0x0, s1;
	[sflag:s0] =	ssyncset.done @!p0 $0x0  }
0x61: {  	[sflag:s0] =	ssyncadd.s32 @!p0 s1  }
0x62: {  	[bflag:$0x3] =	sbarrier.arrive $0xFFFF  }
0x63: {  	_ =	shalt  }

</sc_bundles>
